<compile_context>
chip_gen: v7x
topology: tpu7x:2x2x1
jax: 0.10.2.dev20260603
libtpu: 0.0.44.dev20260713+nightly
codegen_flags: <defaults>
</compile_context>

<pallas_src>
import functools

import jax
import jax.numpy as jnp
from jax import lax
from jax.experimental import pallas as pl
from jax.experimental.pallas import tpu as pltpu
from jax.experimental.pallas import tpu_sc as plsc

B = 4096
F = 26
K = 64
H = 256
P = F // 2
N_LOOKUPS = B * F
N_PAIRS = B * P

_NW = 32
_CHUNK = 416


@functools.cache
def _make_gather(nb):
    ppw = P * nb // _NW
    wpw = F * nb // _NW
    nchunk = ppw // _CHUNK
    assert ppw % _CHUNK == 0

    def _gather_body(idxa_hbm, idxb_hbm, tab_hbm, wtab_hbm, xflat_hbm,
                     vout_hbm, wout_hbm,
                     idxa_v, idxb_v, bufa0, bufb0, bufa1, bufb1, widx_v,
                     wbuf, semA0, semB0, semA1, semB1, wsem):
        wid = lax.axis_index("s") * 2 + lax.axis_index("c")
        pbase = wid * ppw
        wbase = wid * wpw
        pltpu.sync_copy(idxa_hbm.at[pl.ds(pbase, ppw)], idxa_v)
        pltpu.sync_copy(idxb_hbm.at[pl.ds(pbase, ppw)], idxb_v)
        pltpu.sync_copy(xflat_hbm.at[pl.ds(wbase, wpw)], widx_v)
        wcp = pltpu.async_copy(wtab_hbm.at[widx_v], wbuf, wsem)
        bufsa = (bufa0, bufa1)
        bufsb = (bufb0, bufb1)
        semsA = (semA0, semA1)
        semsB = (semB0, semB1)
        cps = [None, None]

        def start(c, slot):
            a = pltpu.async_copy(
                tab_hbm.at[idxa_v.at[pl.ds(c * _CHUNK, _CHUNK)]],
                bufsa[slot], semsA[slot])
            b = pltpu.async_copy(
                tab_hbm.at[idxb_v.at[pl.ds(c * _CHUNK, _CHUNK)]],
                bufsb[slot], semsB[slot])
            return (a, b)

        cps[0] = start(0, 0)
        for c in range(nchunk):
            cur = c % 2
            nxt = (c + 1) % 2
            if c + 1 < nchunk:
                cps[nxt] = start(c + 1, nxt)
            cps[cur][0].wait()
            cps[cur][1].wait()
            rows = pl.ds(pbase + c * _CHUNK, _CHUNK)
            pltpu.sync_copy(bufsa[cur], vout_hbm.at[rows, pl.ds(0, K)])
            pltpu.sync_copy(bufsb[cur], vout_hbm.at[rows, pl.ds(K, K)])
        wcp.wait()
        pltpu.sync_copy(wbuf, wout_hbm.at[pl.ds(wbase, wpw)])

    return pl.kernel(
        _gather_body,
        out_type=(
            jax.ShapeDtypeStruct((P * nb, 2 * K), jnp.float32),
            jax.ShapeDtypeStruct((F * nb,), jnp.float32),
        ),
        mesh=plsc.VectorSubcoreMesh(core_axis_name="c",
                                    subcore_axis_name="s"),
        compiler_params=pltpu.CompilerParams(use_tc_tiling_on_sc=False),
        scratch_types=(
            pltpu.VMEM((ppw,), jnp.int32),
            pltpu.VMEM((ppw,), jnp.int32),
            pltpu.VMEM((_CHUNK, K), jnp.float32),
            pltpu.VMEM((_CHUNK, K), jnp.float32),
            pltpu.VMEM((_CHUNK, K), jnp.float32),
            pltpu.VMEM((_CHUNK, K), jnp.float32),
            pltpu.VMEM((wpw,), jnp.int32),
            pltpu.VMEM((wpw,), jnp.float32),
            pltpu.SemaphoreType.DMA,
            pltpu.SemaphoreType.DMA,
            pltpu.SemaphoreType.DMA,
            pltpu.SemaphoreType.DMA,
            pltpu.SemaphoreType.DMA,
        ),
    )


_BB = 1024


def _mlp_body(*refs):
    v_ref, wv_ref = refs[0], refs[1]
    w_refs = refs[2:2 + F]
    ball_ref, clfh_ref, scal_ref = refs[2 + F], refs[3 + F], refs[4 + F]
    out_ref = refs[5 + F]
    v4 = v_ref[...]
    s128 = v4[0] * 1.0
    ss128 = v4[0] * v4[0]
    for p in range(1, P):
        c = v4[p]
        s128 = s128 + c
        ss128 = ss128 + c * c
    s64 = s128[:, :K] + s128[:, K:]
    fm2 = 0.5 * (jnp.sum(s64 * s64, axis=1, keepdims=True)
                 - jnp.sum(ss128, axis=1, keepdims=True))
    fm1 = jnp.sum(wv_ref[...], axis=1, keepdims=True)
    w0 = scal_ref[0]
    clf_w0 = scal_ref[1]
    clf_b = scal_ref[2]
    fm_out = w0 + fm1 + fm2
    w1_ref = w_refs[0]
    h = jnp.dot(v4[0].astype(jnp.bfloat16),
                w1_ref[0:128, :].astype(jnp.bfloat16),
                preferred_element_type=jnp.float32)
    for p in range(1, P):
        h = h + jnp.dot(v4[p].astype(jnp.bfloat16),
                        w1_ref[p * 128:(p + 1) * 128, :].astype(jnp.bfloat16),
                        preferred_element_type=jnp.float32)
    h = jnp.maximum(h + ball_ref[0, :], 0.0).astype(jnp.bfloat16)
    for i in range(1, F):
        h = jnp.maximum(
            jnp.dot(h, w_refs[i][...].astype(jnp.bfloat16),
                    preferred_element_type=jnp.float32)
            + ball_ref[i, :], 0.0).astype(jnp.bfloat16)
    h = h.astype(jnp.float32)
    out_ref[...] = (fm_out * clf_w0
                    + jnp.dot(h, clfh_ref[...],
                              preferred_element_type=jnp.float32)
                    + clf_b)


def _deepfm_tc(v3, wv, ws, ball, clfh, scal):
    nb = wv.shape[0]
    bb = min(_BB, nb)
    grid = (nb // bb,)
    w_specs = [pl.BlockSpec(w.shape, lambda i: (0, 0)) for w in ws]
    return pl.pallas_call(
        _mlp_body,
        grid=grid,
        in_specs=[
            pl.BlockSpec((P, bb, 2 * K), lambda i: (0, i, 0)),
            pl.BlockSpec((bb, F), lambda i: (i, 0)),
            *w_specs,
            pl.BlockSpec((F, H), lambda i: (0, 0)),
            pl.BlockSpec((H, 1), lambda i: (0, 0)),
            pl.BlockSpec(memory_space=pltpu.SMEM),
        ],
        out_specs=pl.BlockSpec((bb, 1), lambda i: (i, 0)),
        out_shape=jax.ShapeDtypeStruct((nb, 1), jnp.float32),
    )(v3, wv, *ws, ball, clfh, scal)


_SHARDS = (2048, 2048)


def kernel(x, W0, W_tab, V_tab, mlp_ws, mlp_bs, clf_w, clf_b):
    xi = x.astype(jnp.int32)
    tab = jnp.pad(V_tab, ((0, 0), (0, K))).reshape(2 * V_tab.shape[0], K)
    wtab = W_tab.reshape(-1)
    ws = list(mlp_ws)
    ball = jnp.stack(mlp_bs)
    clfh = clf_w[1:]
    scal = jnp.concatenate([W0.reshape(-1), clf_w[0].reshape(-1),
                            clf_b.reshape(-1)])
    outs = []
    base = 0
    for nb in _SHARDS:
        xs = xi[base:base + nb]
        base += nb
        xt2 = 2 * xs.T
        idxa = xt2[0::2].reshape(-1)
        idxb = xt2[1::2].reshape(-1)
        v_pairs, w_flat = _make_gather(nb)(idxa, idxb, tab, wtab,
                                           xs.reshape(-1))
        v3 = v_pairs.reshape(P, nb, 2 * K)
        wv = w_flat.reshape(nb, F)
        outs.append(_deepfm_tc(v3, wv, ws, ball, clfh, scal))
    return jnp.concatenate(outs, axis=0)

# --- scband reference (transcript-rebuilt; emitter-appended) ---
"""Pipeline reference for scband-deep-fm-45638322487810 (READ-ONLY COPY).

The authoritative reference and input builder live on the scoring server;
editing this copy changes nothing except your own understanding.
"""

import jax, jax.numpy as jnp
import numpy as np

NUM_FEATURES = 100000
LATENT_DIM = 64
HIDDEN = [256] * 26
BATCH = 4096
FIELDS = 26  # module wiring requires n_fields == len(hidden_layers)


def setup_inputs(seed: int = 0) -> dict:
    key = jax.random.key(seed)
    x = jax.random.randint(jax.random.fold_in(key, 0), (BATCH, FIELDS), 0, NUM_FEATURES)
    W0 = jnp.zeros((1,), jnp.float32)
    W_tab = 0.01 * jax.random.normal(jax.random.fold_in(key, 1), (NUM_FEATURES, 1), jnp.float32)
    V_tab = 0.01 * jax.random.normal(jax.random.fold_in(key, 2), (NUM_FEATURES, LATENT_DIM), jnp.float32)
    mlp_ws = []
    mlp_bs = []
    in_f = len(HIDDEN) * LATENT_DIM
    for i, h in enumerate(HIDDEN):
        mlp_ws.append(jax.random.normal(jax.random.fold_in(key, 10 + i), (in_f, h), jnp.float32) * (1.0 / np.sqrt(in_f)))
        mlp_bs.append(jnp.zeros((h,), jnp.float32))
        in_f = h
    clf_w = 0.05 * jax.random.normal(jax.random.fold_in(key, 999), (1 + HIDDEN[-1], 1), jnp.float32)
    clf_b = jnp.zeros((1,), jnp.float32)
    return {
        "x": x,
        "W0": W0,
        "W_tab": W_tab,
        "V_tab": V_tab,
        "mlp_ws": tuple(mlp_ws),
        "mlp_bs": tuple(mlp_bs),
        "clf_w": clf_w,
        "clf_b": clf_b,
    }


def reference(x, W0, W_tab, V_tab, mlp_ws, mlp_bs, clf_w, clf_b):
    # FM first-order term: sum of per-feature weights -> [B, 1]
    fm_first = jnp.take(W_tab, x, axis=0).sum(axis=1)  # [B, 1]
    # Shared embeddings
    v = jnp.take(V_tab, x, axis=0)  # [B, F, k]
    # FM second-order term
    sum_of_square = jnp.square(v.sum(axis=1))          # [B, k]
    squares_of_sum = jnp.square(v).sum(axis=1)         # [B, k]
    fm_second = 0.5 * (sum_of_square - squares_of_sum).sum(axis=1, keepdims=True)  # [B, 1]
    fm_out = W0 + fm_first + fm_second  # [B, 1]
    # Deep component on flattened shared embeddings
    deep = v.reshape(v.shape[0], -1)  # [B, F*k]
    for w, b in zip(mlp_ws, mlp_bs):
        deep = jax.nn.relu(deep @ w + b)
    concat = jnp.concatenate([fm_out, deep], axis=-1)  # [B, 1 + h_last]
    logits = concat @ clf_w + clf_b  # [B, 1]
    return logits

if __name__ == "__main__":
    import jax
    _d = setup_inputs()
    print(jax.jit(kernel)(*tuple(_d.values())))

</pallas_src>

<mosaic_0001>
#map = affine_map<(d0, d1) -> (0)>
#map1 = affine_map<(d0, d1) -> (0, 0)>
module attributes {stable_mosaic.version = 14 : i64} {
  func.func @_gather_body(%arg0: i32, %arg1: i32, %arg2: memref<26624xi32, #tpu.memory_space<hbm>>, %arg3: memref<26624xi32, #tpu.memory_space<hbm>>, %arg4: memref<200000x64xf32, #tpu.memory_space<hbm>>, %arg5: memref<100000xf32, #tpu.memory_space<hbm>>, %arg6: memref<53248xi32, #tpu.memory_space<hbm>>, %arg7: memref<26624x128xf32, #tpu.memory_space<hbm>>, %arg8: memref<53248xf32, #tpu.memory_space<hbm>>, %arg9: memref<832xi32, #tpu.memory_space<vmem>>, %arg10: memref<832xi32, #tpu.memory_space<vmem>>, %arg11: memref<416x64xf32, #tpu.memory_space<vmem>>, %arg12: memref<416x64xf32, #tpu.memory_space<vmem>>, %arg13: memref<416x64xf32, #tpu.memory_space<vmem>>, %arg14: memref<416x64xf32, #tpu.memory_space<vmem>>, %arg15: memref<1664xi32, #tpu.memory_space<vmem>>, %arg16: memref<1664xf32, #tpu.memory_space<vmem>>, %arg17: memref<!tpu.dma_semaphore, #tpu.memory_space<semaphore_mem>>, %arg18: memref<!tpu.dma_semaphore, #tpu.memory_space<semaphore_mem>>, %arg19: memref<!tpu.dma_semaphore, #tpu.memory_space<semaphore_mem>>, %arg20: memref<!tpu.dma_semaphore, #tpu.memory_space<semaphore_mem>>, %arg21: memref<!tpu.dma_semaphore, #tpu.memory_space<semaphore_mem>>) attributes {dimension_semantics = [#tpu.dimension_semantics<core_parallel>, #tpu.dimension_semantics<subcore_parallel>], iteration_bounds = array<i64: 2, 16>, scalar_prefetch = 0 : i64, scratch_operands = 13 : i64, tpu.core_type = #tpu.core_type<sc_vector_subcore>, window_params = [{transform_indices = #map}, {transform_indices = #map}, {transform_indices = #map1}, {transform_indices = #map}, {transform_indices = #map}, {transform_indices = #map1}, {transform_indices = #map}]} {
    %mul3A = arith.constant 2 : i32
    %mul3A_0 = arith.muli %arg1, %mul3A : i32
    %add3A = arith.addi %mul3A_0, %arg0 : i32
    %mul3A_1 = arith.constant 832 : i32
    %mul3A_2 = arith.muli %add3A, %mul3A_1 : i32
    %mul3A_3 = arith.constant 1664 : i32
    %mul3A_4 = arith.muli %add3A, %mul3A_3 : i32
    "tpu.region"() ({
      %run_scoped3A = tpu.sem_alloc : memref<!tpu.dma_semaphore, #tpu.memory_space<semaphore_mem>>
      %dma_start3A_51 = tpu.memref_slice %arg2[%mul3A_2] : memref<26624xi32, #tpu.memory_space<hbm>> -> memref<832xi32, #tpu.memory_space<hbm>>
      %dma_start3A_52 = tpu.memref_slice %arg2[%mul3A_2] : memref<26624xi32, #tpu.memory_space<hbm>> -> memref<832xi32, #tpu.memory_space<hbm>>
      tpu.enqueue_dma source(%dma_start3A_52 : memref<832xi32, #tpu.memory_space<hbm>>) target(%arg9 : memref<832xi32, #tpu.memory_space<vmem>>) target_semaphore(%run_scoped3A : memref<!tpu.dma_semaphore, #tpu.memory_space<semaphore_mem>>)
      %dma_wait3A_53 = tpu.memref_slice %arg2[%mul3A_2] : memref<26624xi32, #tpu.memory_space<hbm>> -> memref<832xi32, #tpu.memory_space<hbm>>
      %dma_wait3A_54 = tpu.memref_slice %arg2[%mul3A_2] : memref<26624xi32, #tpu.memory_space<hbm>> -> memref<832xi32, #tpu.memory_space<hbm>>
      tpu.wait_dma2 semaphore(%run_scoped3A : memref<!tpu.dma_semaphore, #tpu.memory_space<semaphore_mem>>) src(%dma_wait3A_54 : memref<832xi32, #tpu.memory_space<hbm>>) dst(%arg9 : memref<832xi32, #tpu.memory_space<vmem>>)
      tpu.yield
    }) : () -> ()
    "tpu.region"() ({
      %run_scoped3A = tpu.sem_alloc : memref<!tpu.dma_semaphore, #tpu.memory_space<semaphore_mem>>
      %dma_start3A_51 = tpu.memref_slice %arg3[%mul3A_2] : memref<26624xi32, #tpu.memory_space<hbm>> -> memref<832xi32, #tpu.memory_space<hbm>>
      %dma_start3A_52 = tpu.memref_slice %arg3[%mul3A_2] : memref<26624xi32, #tpu.memory_space<hbm>> -> memref<832xi32, #tpu.memory_space<hbm>>
      tpu.enqueue_dma source(%dma_start3A_52 : memref<832xi32, #tpu.memory_space<hbm>>) target(%arg10 : memref<832xi32, #tpu.memory_space<vmem>>) target_semaphore(%run_scoped3A : memref<!tpu.dma_semaphore, #tpu.memory_space<semaphore_mem>>)
      %dma_wait3A_53 = tpu.memref_slice %arg3[%mul3A_2] : memref<26624xi32, #tpu.memory_space<hbm>> -> memref<832xi32, #tpu.memory_space<hbm>>
      %dma_wait3A_54 = tpu.memref_slice %arg3[%mul3A_2] : memref<26624xi32, #tpu.memory_space<hbm>> -> memref<832xi32, #tpu.memory_space<hbm>>
      tpu.wait_dma2 semaphore(%run_scoped3A : memref<!tpu.dma_semaphore, #tpu.memory_space<semaphore_mem>>) src(%dma_wait3A_54 : memref<832xi32, #tpu.memory_space<hbm>>) dst(%arg10 : memref<832xi32, #tpu.memory_space<vmem>>)
      tpu.yield
    }) : () -> ()
    "tpu.region"() ({
      %run_scoped3A = tpu.sem_alloc : memref<!tpu.dma_semaphore, #tpu.memory_space<semaphore_mem>>
      %dma_start3A_51 = tpu.memref_slice %arg6[%mul3A_4] : memref<53248xi32, #tpu.memory_space<hbm>> -> memref<1664xi32, #tpu.memory_space<hbm>>
      %dma_start3A_52 = tpu.memref_slice %arg6[%mul3A_4] : memref<53248xi32, #tpu.memory_space<hbm>> -> memref<1664xi32, #tpu.memory_space<hbm>>
      tpu.enqueue_dma source(%dma_start3A_52 : memref<1664xi32, #tpu.memory_space<hbm>>) target(%arg15 : memref<1664xi32, #tpu.memory_space<vmem>>) target_semaphore(%run_scoped3A : memref<!tpu.dma_semaphore, #tpu.memory_space<semaphore_mem>>)
      %dma_wait3A_53 = tpu.memref_slice %arg6[%mul3A_4] : memref<53248xi32, #tpu.memory_space<hbm>> -> memref<1664xi32, #tpu.memory_space<hbm>>
      %dma_wait3A_54 = tpu.memref_slice %arg6[%mul3A_4] : memref<53248xi32, #tpu.memory_space<hbm>> -> memref<1664xi32, #tpu.memory_space<hbm>>
      tpu.wait_dma2 semaphore(%run_scoped3A : memref<!tpu.dma_semaphore, #tpu.memory_space<semaphore_mem>>) src(%dma_wait3A_54 : memref<1664xi32, #tpu.memory_space<hbm>>) dst(%arg15 : memref<1664xi32, #tpu.memory_space<vmem>>)
      tpu.yield
    }) : () -> ()
    %dma_start3A = arith.constant 0 : i32
    %dma_start3A_5 = tpu.memref_slice %arg5[%dma_start3A] : memref<100000xf32, #tpu.memory_space<hbm>> -> memref<100000xf32, #tpu.memory_space<hbm>>
    tpu.enqueue_indirect_dma source(%dma_start3A_5 : memref<100000xf32, #tpu.memory_space<hbm>>) target(%arg16 : memref<1664xf32, #tpu.memory_space<vmem>>) offsets(%arg15 : memref<1664xi32, #tpu.memory_space<vmem>>) semaphore(%arg21 : memref<!tpu.dma_semaphore, #tpu.memory_space<semaphore_mem>>)
    %dma_start3A_6 = arith.constant 0 : i32
    %dma_start3A_7 = tpu.memref_slice %arg9[%dma_start3A_6] : memref<832xi32, #tpu.memory_space<vmem>> -> memref<416xi32, #tpu.memory_space<vmem>>
    %dma_start3A_8 = arith.constant 0 : i32
    %dma_start3A_9 = arith.constant 0 : i32
    %dma_start3A_10 = tpu.memref_slice %arg4[%dma_start3A_8, %dma_start3A_9] : memref<200000x64xf32, #tpu.memory_space<hbm>> -> memref<200000x64xf32, #tpu.memory_space<hbm>>
    tpu.enqueue_indirect_dma source(%dma_start3A_10 : memref<200000x64xf32, #tpu.memory_space<hbm>>) target(%arg11 : memref<416x64xf32, #tpu.memory_space<vmem>>) offsets(%dma_start3A_7 : memref<416xi32, #tpu.memory_space<vmem>>) semaphore(%arg17 : memref<!tpu.dma_semaphore, #tpu.memory_space<semaphore_mem>>)
    %dma_start3A_11 = arith.constant 0 : i32
    %dma_start3A_12 = tpu.memref_slice %arg10[%dma_start3A_11] : memref<832xi32, #tpu.memory_space<vmem>> -> memref<416xi32, #tpu.memory_space<vmem>>
    %dma_start3A_13 = arith.constant 0 : i32
    %dma_start3A_14 = arith.constant 0 : i32
    %dma_start3A_15 = tpu.memref_slice %arg4[%dma_start3A_13, %dma_start3A_14] : memref<200000x64xf32, #tpu.memory_space<hbm>> -> memref<200000x64xf32, #tpu.memory_space<hbm>>
    tpu.enqueue_indirect_dma source(%dma_start3A_15 : memref<200000x64xf32, #tpu.memory_space<hbm>>) target(%arg12 : memref<416x64xf32, #tpu.memory_space<vmem>>) offsets(%dma_start3A_12 : memref<416xi32, #tpu.memory_space<vmem>>) semaphore(%arg18 : memref<!tpu.dma_semaphore, #tpu.memory_space<semaphore_mem>>)
    %dma_start3A_16 = arith.constant 416 : i32
    %dma_start3A_17 = tpu.memref_slice %arg9[%dma_start3A_16] : memref<832xi32, #tpu.memory_space<vmem>> -> memref<416xi32, #tpu.memory_space<vmem>>
    %dma_start3A_18 = arith.constant 0 : i32
    %dma_start3A_19 = arith.constant 0 : i32
    %dma_start3A_20 = tpu.memref_slice %arg4[%dma_start3A_18, %dma_start3A_19] : memref<200000x64xf32, #tpu.memory_space<hbm>> -> memref<200000x64xf32, #tpu.memory_space<hbm>>
    tpu.enqueue_indirect_dma source(%dma_start3A_20 : memref<200000x64xf32, #tpu.memory_space<hbm>>) target(%arg13 : memref<416x64xf32, #tpu.memory_space<vmem>>) offsets(%dma_start3A_17 : memref<416xi32, #tpu.memory_space<vmem>>) semaphore(%arg19 : memref<!tpu.dma_semaphore, #tpu.memory_space<semaphore_mem>>)
    %dma_start3A_21 = arith.constant 416 : i32
    %dma_start3A_22 = tpu.memref_slice %arg10[%dma_start3A_21] : memref<832xi32, #tpu.memory_space<vmem>> -> memref<416xi32, #tpu.memory_space<vmem>>
    %dma_start3A_23 = arith.constant 0 : i32
    %dma_start3A_24 = arith.constant 0 : i32
    %dma_start3A_25 = tpu.memref_slice %arg4[%dma_start3A_23, %dma_start3A_24] : memref<200000x64xf32, #tpu.memory_space<hbm>> -> memref<200000x64xf32, #tpu.memory_space<hbm>>
    tpu.enqueue_indirect_dma source(%dma_start3A_25 : memref<200000x64xf32, #tpu.memory_space<hbm>>) target(%arg14 : memref<416x64xf32, #tpu.memory_space<vmem>>) offsets(%dma_start3A_22 : memref<416xi32, #tpu.memory_space<vmem>>) semaphore(%arg20 : memref<!tpu.dma_semaphore, #tpu.memory_space<semaphore_mem>>)
    %dma_wait3A = arith.constant 0 : i32
    %dma_wait3A_26 = tpu.memref_slice %arg9[%dma_wait3A] : memref<832xi32, #tpu.memory_space<vmem>> -> memref<416xi32, #tpu.memory_space<vmem>>
    %dma_wait3A_27 = arith.constant 0 : i32
    %dma_wait3A_28 = arith.constant 0 : i32
    %dma_wait3A_29 = tpu.memref_slice %arg4[%dma_wait3A_27, %dma_wait3A_28] : memref<200000x64xf32, #tpu.memory_space<hbm>> -> memref<200000x64xf32, #tpu.memory_space<hbm>>
    tpu.wait_indirect_dma semaphore(%arg17 : memref<!tpu.dma_semaphore, #tpu.memory_space<semaphore_mem>>) src(%dma_wait3A_29 : memref<200000x64xf32, #tpu.memory_space<hbm>>) dst(%arg11 : memref<416x64xf32, #tpu.memory_space<vmem>>)
    %dma_wait3A_30 = arith.constant 0 : i32
    %dma_wait3A_31 = tpu.memref_slice %arg10[%dma_wait3A_30] : memref<832xi32, #tpu.memory_space<vmem>> -> memref<416xi32, #tpu.memory_space<vmem>>
    %dma_wait3A_32 = arith.constant 0 : i32
    %dma_wait3A_33 = arith.constant 0 : i32
    %dma_wait3A_34 = tpu.memref_slice %arg4[%dma_wait3A_32, %dma_wait3A_33] : memref<200000x64xf32, #tpu.memory_space<hbm>> -> memref<200000x64xf32, #tpu.memory_space<hbm>>
    tpu.wait_indirect_dma semaphore(%arg18 : memref<!tpu.dma_semaphore, #tpu.memory_space<semaphore_mem>>) src(%dma_wait3A_34 : memref<200000x64xf32, #tpu.memory_space<hbm>>) dst(%arg12 : memref<416x64xf32, #tpu.memory_space<vmem>>)
    %add3A_35 = arith.constant 0 : i32
    %add3A_36 = arith.addi %mul3A_2, %add3A_35 : i32
    "tpu.region"() ({
      %run_scoped3A = tpu.sem_alloc : memref<!tpu.dma_semaphore, #tpu.memory_space<semaphore_mem>>
      %dma_start3A_51 = arith.constant 0 : i32
      %dma_start3A_52 = tpu.memref_slice %arg7[%add3A_36, %dma_start3A_51] : memref<26624x128xf32, #tpu.memory_space<hbm>> -> memref<416x64xf32, #tpu.memory_space<hbm>>
      %dma_start3A_53 = arith.constant 0 : i32
      %dma_start3A_54 = tpu.memref_slice %arg7[%add3A_36, %dma_start3A_53] : memref<26624x128xf32, #tpu.memory_space<hbm>> -> memref<416x64xf32, #tpu.memory_space<hbm>>
      tpu.enqueue_dma source(%arg11 : memref<416x64xf32, #tpu.memory_space<vmem>>) target(%dma_start3A_54 : memref<416x64xf32, #tpu.memory_space<hbm>>) target_semaphore(%run_scoped3A : memref<!tpu.dma_semaphore, #tpu.memory_space<semaphore_mem>>)
      %dma_wait3A_55 = arith.constant 0 : i32
      %dma_wait3A_56 = tpu.memref_slice %arg7[%add3A_36, %dma_wait3A_55] : memref<26624x128xf32, #tpu.memory_space<hbm>> -> memref<416x64xf32, #tpu.memory_space<hbm>>
      %dma_wait3A_57 = arith.constant 0 : i32
      %dma_wait3A_58 = tpu.memref_slice %arg7[%add3A_36, %dma_wait3A_57] : memref<26624x128xf32, #tpu.memory_space<hbm>> -> memref<416x64xf32, #tpu.memory_space<hbm>>
      tpu.wait_dma2 semaphore(%run_scoped3A : memref<!tpu.dma_semaphore, #tpu.memory_space<semaphore_mem>>) src(%arg11 : memref<416x64xf32, #tpu.memory_space<vmem>>) dst(%dma_wait3A_58 : memref<416x64xf32, #tpu.memory_space<hbm>>)
      tpu.yield
    }) : () -> ()
    "tpu.region"() ({
      %run_scoped3A = tpu.sem_alloc : memref<!tpu.dma_semaphore, #tpu.memory_space<semaphore_mem>>
      %dma_start3A_51 = arith.constant 64 : i32
      %dma_start3A_52 = tpu.memref_slice %arg7[%add3A_36, %dma_start3A_51] : memref<26624x128xf32, #tpu.memory_space<hbm>> -> memref<416x64xf32, #tpu.memory_space<hbm>>
      %dma_start3A_53 = arith.constant 64 : i32
      %dma_start3A_54 = tpu.memref_slice %arg7[%add3A_36, %dma_start3A_53] : memref<26624x128xf32, #tpu.memory_space<hbm>> -> memref<416x64xf32, #tpu.memory_space<hbm>>
      tpu.enqueue_dma source(%arg12 : memref<416x64xf32, #tpu.memory_space<vmem>>) target(%dma_start3A_54 : memref<416x64xf32, #tpu.memory_space<hbm>>) target_semaphore(%run_scoped3A : memref<!tpu.dma_semaphore, #tpu.memory_space<semaphore_mem>>)
      %dma_wait3A_55 = arith.constant 64 : i32
      %dma_wait3A_56 = tpu.memref_slice %arg7[%add3A_36, %dma_wait3A_55] : memref<26624x128xf32, #tpu.memory_space<hbm>> -> memref<416x64xf32, #tpu.memory_space<hbm>>
      %dma_wait3A_57 = arith.constant 64 : i32
      %dma_wait3A_58 = tpu.memref_slice %arg7[%add3A_36, %dma_wait3A_57] : memref<26624x128xf32, #tpu.memory_space<hbm>> -> memref<416x64xf32, #tpu.memory_space<hbm>>
      tpu.wait_dma2 semaphore(%run_scoped3A : memref<!tpu.dma_semaphore, #tpu.memory_space<semaphore_mem>>) src(%arg12 : memref<416x64xf32, #tpu.memory_space<vmem>>) dst(%dma_wait3A_58 : memref<416x64xf32, #tpu.memory_space<hbm>>)
      tpu.yield
    }) : () -> ()
    %dma_wait3A_37 = arith.constant 416 : i32
    %dma_wait3A_38 = tpu.memref_slice %arg9[%dma_wait3A_37] : memref<832xi32, #tpu.memory_space<vmem>> -> memref<416xi32, #tpu.memory_space<vmem>>
    %dma_wait3A_39 = arith.constant 0 : i32
    %dma_wait3A_40 = arith.constant 0 : i32
    %dma_wait3A_41 = tpu.memref_slice %arg4[%dma_wait3A_39, %dma_wait3A_40] : memref<200000x64xf32, #tpu.memory_space<hbm>> -> memref<200000x64xf32, #tpu.memory_space<hbm>>
    tpu.wait_indirect_dma semaphore(%arg19 : memref<!tpu.dma_semaphore, #tpu.memory_space<semaphore_mem>>) src(%dma_wait3A_41 : memref<200000x64xf32, #tpu.memory_space<hbm>>) dst(%arg13 : memref<416x64xf32, #tpu.memory_space<vmem>>)
    %dma_wait3A_42 = arith.constant 416 : i32
    %dma_wait3A_43 = tpu.memref_slice %arg10[%dma_wait3A_42] : memref<832xi32, #tpu.memory_space<vmem>> -> memref<416xi32, #tpu.memory_space<vmem>>
    %dma_wait3A_44 = arith.constant 0 : i32
    %dma_wait3A_45 = arith.constant 0 : i32
    %dma_wait3A_46 = tpu.memref_slice %arg4[%dma_wait3A_44, %dma_wait3A_45] : memref<200000x64xf32, #tpu.memory_space<hbm>> -> memref<200000x64xf32, #tpu.memory_space<hbm>>
    tpu.wait_indirect_dma semaphore(%arg20 : memref<!tpu.dma_semaphore, #tpu.memory_space<semaphore_mem>>) src(%dma_wait3A_46 : memref<200000x64xf32, #tpu.memory_space<hbm>>) dst(%arg14 : memref<416x64xf32, #tpu.memory_space<vmem>>)
    %add3A_47 = arith.constant 416 : i32
    %add3A_48 = arith.addi %mul3A_2, %add3A_47 : i32
    "tpu.region"() ({
      %run_scoped3A = tpu.sem_alloc : memref<!tpu.dma_semaphore, #tpu.memory_space<semaphore_mem>>
      %dma_start3A_51 = arith.constant 0 : i32
      %dma_start3A_52 = tpu.memref_slice %arg7[%add3A_48, %dma_start3A_51] : memref<26624x128xf32, #tpu.memory_space<hbm>> -> memref<416x64xf32, #tpu.memory_space<hbm>>
      %dma_start3A_53 = arith.constant 0 : i32
      %dma_start3A_54 = tpu.memref_slice %arg7[%add3A_48, %dma_start3A_53] : memref<26624x128xf32, #tpu.memory_space<hbm>> -> memref<416x64xf32, #tpu.memory_space<hbm>>
      tpu.enqueue_dma source(%arg13 : memref<416x64xf32, #tpu.memory_space<vmem>>) target(%dma_start3A_54 : memref<416x64xf32, #tpu.memory_space<hbm>>) target_semaphore(%run_scoped3A : memref<!tpu.dma_semaphore, #tpu.memory_space<semaphore_mem>>)
      %dma_wait3A_55 = arith.constant 0 : i32
      %dma_wait3A_56 = tpu.memref_slice %arg7[%add3A_48, %dma_wait3A_55] : memref<26624x128xf32, #tpu.memory_space<hbm>> -> memref<416x64xf32, #tpu.memory_space<hbm>>
      %dma_wait3A_57 = arith.constant 0 : i32
      %dma_wait3A_58 = tpu.memref_slice %arg7[%add3A_48, %dma_wait3A_57] : memref<26624x128xf32, #tpu.memory_space<hbm>> -> memref<416x64xf32, #tpu.memory_space<hbm>>
      tpu.wait_dma2 semaphore(%run_scoped3A : memref<!tpu.dma_semaphore, #tpu.memory_space<semaphore_mem>>) src(%arg13 : memref<416x64xf32, #tpu.memory_space<vmem>>) dst(%dma_wait3A_58 : memref<416x64xf32, #tpu.memory_space<hbm>>)
      tpu.yield
    }) : () -> ()
    "tpu.region"() ({
      %run_scoped3A = tpu.sem_alloc : memref<!tpu.dma_semaphore, #tpu.memory_space<semaphore_mem>>
      %dma_start3A_51 = arith.constant 64 : i32
      %dma_start3A_52 = tpu.memref_slice %arg7[%add3A_48, %dma_start3A_51] : memref<26624x128xf32, #tpu.memory_space<hbm>> -> memref<416x64xf32, #tpu.memory_space<hbm>>
      %dma_start3A_53 = arith.constant 64 : i32
      %dma_start3A_54 = tpu.memref_slice %arg7[%add3A_48, %dma_start3A_53] : memref<26624x128xf32, #tpu.memory_space<hbm>> -> memref<416x64xf32, #tpu.memory_space<hbm>>
      tpu.enqueue_dma source(%arg14 : memref<416x64xf32, #tpu.memory_space<vmem>>) target(%dma_start3A_54 : memref<416x64xf32, #tpu.memory_space<hbm>>) target_semaphore(%run_scoped3A : memref<!tpu.dma_semaphore, #tpu.memory_space<semaphore_mem>>)
      %dma_wait3A_55 = arith.constant 64 : i32
      %dma_wait3A_56 = tpu.memref_slice %arg7[%add3A_48, %dma_wait3A_55] : memref<26624x128xf32, #tpu.memory_space<hbm>> -> memref<416x64xf32, #tpu.memory_space<hbm>>
      %dma_wait3A_57 = arith.constant 64 : i32
      %dma_wait3A_58 = tpu.memref_slice %arg7[%add3A_48, %dma_wait3A_57] : memref<26624x128xf32, #tpu.memory_space<hbm>> -> memref<416x64xf32, #tpu.memory_space<hbm>>
      tpu.wait_dma2 semaphore(%run_scoped3A : memref<!tpu.dma_semaphore, #tpu.memory_space<semaphore_mem>>) src(%arg14 : memref<416x64xf32, #tpu.memory_space<vmem>>) dst(%dma_wait3A_58 : memref<416x64xf32, #tpu.memory_space<hbm>>)
      tpu.yield
    }) : () -> ()
    %dma_wait3A_49 = arith.constant 0 : i32
    %dma_wait3A_50 = tpu.memref_slice %arg5[%dma_wait3A_49] : memref<100000xf32, #tpu.memory_space<hbm>> -> memref<100000xf32, #tpu.memory_space<hbm>>
    tpu.wait_indirect_dma semaphore(%arg21 : memref<!tpu.dma_semaphore, #tpu.memory_space<semaphore_mem>>) src(%dma_wait3A_50 : memref<100000xf32, #tpu.memory_space<hbm>>) dst(%arg16 : memref<1664xf32, #tpu.memory_space<vmem>>)
    "tpu.region"() ({
      %run_scoped3A = tpu.sem_alloc : memref<!tpu.dma_semaphore, #tpu.memory_space<semaphore_mem>>
      %dma_start3A_51 = tpu.memref_slice %arg8[%mul3A_4] : memref<53248xf32, #tpu.memory_space<hbm>> -> memref<1664xf32, #tpu.memory_space<hbm>>
      %dma_start3A_52 = tpu.memref_slice %arg8[%mul3A_4] : memref<53248xf32, #tpu.memory_space<hbm>> -> memref<1664xf32, #tpu.memory_space<hbm>>
      tpu.enqueue_dma source(%arg16 : memref<1664xf32, #tpu.memory_space<vmem>>) target(%dma_start3A_52 : memref<1664xf32, #tpu.memory_space<hbm>>) target_semaphore(%run_scoped3A : memref<!tpu.dma_semaphore, #tpu.memory_space<semaphore_mem>>)
      %dma_wait3A_53 = tpu.memref_slice %arg8[%mul3A_4] : memref<53248xf32, #tpu.memory_space<hbm>> -> memref<1664xf32, #tpu.memory_space<hbm>>
      %dma_wait3A_54 = tpu.memref_slice %arg8[%mul3A_4] : memref<53248xf32, #tpu.memory_space<hbm>> -> memref<1664xf32, #tpu.memory_space<hbm>>
      tpu.wait_dma2 semaphore(%run_scoped3A : memref<!tpu.dma_semaphore, #tpu.memory_space<semaphore_mem>>) src(%arg16 : memref<1664xf32, #tpu.memory_space<vmem>>) dst(%dma_wait3A_54 : memref<1664xf32, #tpu.memory_space<hbm>>)
      tpu.yield
    }) : () -> ()
    return
  }
}

#map = affine_map<(d0, d1) -> (0)>
#map1 = affine_map<(d0, d1) -> (0, 0)>
module attributes {stable_mosaic.version = 14 : i64} {
  func.func @_gather_body(%arg0: i32, %arg1: i32, %arg2: memref<26624xi32, #tpu.memory_space<hbm>>, %arg3: memref<26624xi32, #tpu.memory_space<hbm>>, %arg4: memref<200000x64xf32, #tpu.memory_space<hbm>>, %arg5: memref<100000xf32, #tpu.memory_space<hbm>>, %arg6: memref<53248xi32, #tpu.memory_space<hbm>>, %arg7: memref<26624x128xf32, #tpu.memory_space<hbm>>, %arg8: memref<53248xf32, #tpu.memory_space<hbm>>, %arg9: memref<832xi32, #tpu.memory_space<vmem>>, %arg10: memref<832xi32, #tpu.memory_space<vmem>>, %arg11: memref<416x64xf32, #tpu.memory_space<vmem>>, %arg12: memref<416x64xf32, #tpu.memory_space<vmem>>, %arg13: memref<416x64xf32, #tpu.memory_space<vmem>>, %arg14: memref<416x64xf32, #tpu.memory_space<vmem>>, %arg15: memref<1664xi32, #tpu.memory_space<vmem>>, %arg16: memref<1664xf32, #tpu.memory_space<vmem>>, %arg17: memref<!tpu.dma_semaphore, #tpu.memory_space<semaphore_mem>>, %arg18: memref<!tpu.dma_semaphore, #tpu.memory_space<semaphore_mem>>, %arg19: memref<!tpu.dma_semaphore, #tpu.memory_space<semaphore_mem>>, %arg20: memref<!tpu.dma_semaphore, #tpu.memory_space<semaphore_mem>>, %arg21: memref<!tpu.dma_semaphore, #tpu.memory_space<semaphore_mem>>) attributes {dimension_semantics = [#tpu.dimension_semantics<core_parallel>, #tpu.dimension_semantics<subcore_parallel>], iteration_bounds = array<i64: 2, 16>, scalar_prefetch = 0 : i64, scratch_operands = 13 : i64, tpu.core_type = #tpu.core_type<sc_vector_subcore>, window_params = [{transform_indices = #map}, {transform_indices = #map}, {transform_indices = #map1}, {transform_indices = #map}, {transform_indices = #map}, {transform_indices = #map1}, {transform_indices = #map}]} {
    %mul3A = arith.constant 2 : i32
    %mul3A_0 = arith.muli %arg1, %mul3A : i32
    %add3A = arith.addi %mul3A_0, %arg0 : i32
    %mul3A_1 = arith.constant 832 : i32
    %mul3A_2 = arith.muli %add3A, %mul3A_1 : i32
    %mul3A_3 = arith.constant 1664 : i32
    %mul3A_4 = arith.muli %add3A, %mul3A_3 : i32
    "tpu.region"() ({
      %run_scoped3A = tpu.sem_alloc : memref<!tpu.dma_semaphore, #tpu.memory_space<semaphore_mem>>
      %dma_start3A_51 = tpu.memref_slice %arg2[%mul3A_2] : memref<26624xi32, #tpu.memory_space<hbm>> -> memref<832xi32, #tpu.memory_space<hbm>>
      %dma_start3A_52 = tpu.memref_slice %arg2[%mul3A_2] : memref<26624xi32, #tpu.memory_space<hbm>> -> memref<832xi32, #tpu.memory_space<hbm>>
      tpu.enqueue_dma source(%dma_start3A_52 : memref<832xi32, #tpu.memory_space<hbm>>) target(%arg9 : memref<832xi32, #tpu.memory_space<vmem>>) target_semaphore(%run_scoped3A : memref<!tpu.dma_semaphore, #tpu.memory_space<semaphore_mem>>)
      %dma_wait3A_53 = tpu.memref_slice %arg2[%mul3A_2] : memref<26624xi32, #tpu.memory_space<hbm>> -> memref<832xi32, #tpu.memory_space<hbm>>
      %dma_wait3A_54 = tpu.memref_slice %arg2[%mul3A_2] : memref<26624xi32, #tpu.memory_space<hbm>> -> memref<832xi32, #tpu.memory_space<hbm>>
      tpu.wait_dma2 semaphore(%run_scoped3A : memref<!tpu.dma_semaphore, #tpu.memory_space<semaphore_mem>>) src(%dma_wait3A_54 : memref<832xi32, #tpu.memory_space<hbm>>) dst(%arg9 : memref<832xi32, #tpu.memory_space<vmem>>)
      tpu.yield
    }) : () -> ()
    "tpu.region"() ({
      %run_scoped3A = tpu.sem_alloc : memref<!tpu.dma_semaphore, #tpu.memory_space<semaphore_mem>>
      %dma_start3A_51 = tpu.memref_slice %arg3[%mul3A_2] : memref<26624xi32, #tpu.memory_space<hbm>> -> memref<832xi32, #tpu.memory_space<hbm>>
      %dma_start3A_52 = tpu.memref_slice %arg3[%mul3A_2] : memref<26624xi32, #tpu.memory_space<hbm>> -> memref<832xi32, #tpu.memory_space<hbm>>
      tpu.enqueue_dma source(%dma_start3A_52 : memref<832xi32, #tpu.memory_space<hbm>>) target(%arg10 : memref<832xi32, #tpu.memory_space<vmem>>) target_semaphore(%run_scoped3A : memref<!tpu.dma_semaphore, #tpu.memory_space<semaphore_mem>>)
      %dma_wait3A_53 = tpu.memref_slice %arg3[%mul3A_2] : memref<26624xi32, #tpu.memory_space<hbm>> -> memref<832xi32, #tpu.memory_space<hbm>>
      %dma_wait3A_54 = tpu.memref_slice %arg3[%mul3A_2] : memref<26624xi32, #tpu.memory_space<hbm>> -> memref<832xi32, #tpu.memory_space<hbm>>
      tpu.wait_dma2 semaphore(%run_scoped3A : memref<!tpu.dma_semaphore, #tpu.memory_space<semaphore_mem>>) src(%dma_wait3A_54 : memref<832xi32, #tpu.memory_space<hbm>>) dst(%arg10 : memref<832xi32, #tpu.memory_space<vmem>>)
      tpu.yield
    }) : () -> ()
    "tpu.region"() ({
      %run_scoped3A = tpu.sem_alloc : memref<!tpu.dma_semaphore, #tpu.memory_space<semaphore_mem>>
      %dma_start3A_51 = tpu.memref_slice %arg6[%mul3A_4] : memref<53248xi32, #tpu.memory_space<hbm>> -> memref<1664xi32, #tpu.memory_space<hbm>>
      %dma_start3A_52 = tpu.memref_slice %arg6[%mul3A_4] : memref<53248xi32, #tpu.memory_space<hbm>> -> memref<1664xi32, #tpu.memory_space<hbm>>
      tpu.enqueue_dma source(%dma_start3A_52 : memref<1664xi32, #tpu.memory_space<hbm>>) target(%arg15 : memref<1664xi32, #tpu.memory_space<vmem>>) target_semaphore(%run_scoped3A : memref<!tpu.dma_semaphore, #tpu.memory_space<semaphore_mem>>)
      %dma_wait3A_53 = tpu.memref_slice %arg6[%mul3A_4] : memref<53248xi32, #tpu.memory_space<hbm>> -> memref<1664xi32, #tpu.memory_space<hbm>>
      %dma_wait3A_54 = tpu.memref_slice %arg6[%mul3A_4] : memref<53248xi32, #tpu.memory_space<hbm>> -> memref<1664xi32, #tpu.memory_space<hbm>>
      tpu.wait_dma2 semaphore(%run_scoped3A : memref<!tpu.dma_semaphore, #tpu.memory_space<semaphore_mem>>) src(%dma_wait3A_54 : memref<1664xi32, #tpu.memory_space<hbm>>) dst(%arg15 : memref<1664xi32, #tpu.memory_space<vmem>>)
      tpu.yield
    }) : () -> ()
    %dma_start3A = arith.constant 0 : i32
    %dma_start3A_5 = tpu.memref_slice %arg5[%dma_start3A] : memref<100000xf32, #tpu.memory_space<hbm>> -> memref<100000xf32, #tpu.memory_space<hbm>>
    tpu.enqueue_indirect_dma source(%dma_start3A_5 : memref<100000xf32, #tpu.memory_space<hbm>>) target(%arg16 : memref<1664xf32, #tpu.memory_space<vmem>>) offsets(%arg15 : memref<1664xi32, #tpu.memory_space<vmem>>) semaphore(%arg21 : memref<!tpu.dma_semaphore, #tpu.memory_space<semaphore_mem>>)
    %dma_start3A_6 = arith.constant 0 : i32
    %dma_start3A_7 = tpu.memref_slice %arg9[%dma_start3A_6] : memref<832xi32, #tpu.memory_space<vmem>> -> memref<416xi32, #tpu.memory_space<vmem>>
    %dma_start3A_8 = arith.constant 0 : i32
    %dma_start3A_9 = arith.constant 0 : i32
    %dma_start3A_10 = tpu.memref_slice %arg4[%dma_start3A_8, %dma_start3A_9] : memref<200000x64xf32, #tpu.memory_space<hbm>> -> memref<200000x64xf32, #tpu.memory_space<hbm>>
    tpu.enqueue_indirect_dma source(%dma_start3A_10 : memref<200000x64xf32, #tpu.memory_space<hbm>>) target(%arg11 : memref<416x64xf32, #tpu.memory_space<vmem>>) offsets(%dma_start3A_7 : memref<416xi32, #tpu.memory_space<vmem>>) semaphore(%arg17 : memref<!tpu.dma_semaphore, #tpu.memory_space<semaphore_mem>>)
    %dma_start3A_11 = arith.constant 0 : i32
    %dma_start3A_12 = tpu.memref_slice %arg10[%dma_start3A_11] : memref<832xi32, #tpu.memory_space<vmem>> -> memref<416xi32, #tpu.memory_space<vmem>>
    %dma_start3A_13 = arith.constant 0 : i32
    %dma_start3A_14 = arith.constant 0 : i32
    %dma_start3A_15 = tpu.memref_slice %arg4[%dma_start3A_13, %dma_start3A_14] : memref<200000x64xf32, #tpu.memory_space<hbm>> -> memref<200000x64xf32, #tpu.memory_space<hbm>>
    tpu.enqueue_indirect_dma source(%dma_start3A_15 : memref<200000x64xf32, #tpu.memory_space<hbm>>) target(%arg12 : memref<416x64xf32, #tpu.memory_space<vmem>>) offsets(%dma_start3A_12 : memref<416xi32, #tpu.memory_space<vmem>>) semaphore(%arg18 : memref<!tpu.dma_semaphore, #tpu.memory_space<semaphore_mem>>)
    %dma_start3A_16 = arith.constant 416 : i32
    %dma_start3A_17 = tpu.memref_slice %arg9[%dma_start3A_16] : memref<832xi32, #tpu.memory_space<vmem>> -> memref<416xi32, #tpu.memory_space<vmem>>
    %dma_start3A_18 = arith.constant 0 : i32
    %dma_start3A_19 = arith.constant 0 : i32
    %dma_start3A_20 = tpu.memref_slice %arg4[%dma_start3A_18, %dma_start3A_19] : memref<200000x64xf32, #tpu.memory_space<hbm>> -> memref<200000x64xf32, #tpu.memory_space<hbm>>
    tpu.enqueue_indirect_dma source(%dma_start3A_20 : memref<200000x64xf32, #tpu.memory_space<hbm>>) target(%arg13 : memref<416x64xf32, #tpu.memory_space<vmem>>) offsets(%dma_start3A_17 : memref<416xi32, #tpu.memory_space<vmem>>) semaphore(%arg19 : memref<!tpu.dma_semaphore, #tpu.memory_space<semaphore_mem>>)
    %dma_start3A_21 = arith.constant 416 : i32
    %dma_start3A_22 = tpu.memref_slice %arg10[%dma_start3A_21] : memref<832xi32, #tpu.memory_space<vmem>> -> memref<416xi32, #tpu.memory_space<vmem>>
    %dma_start3A_23 = arith.constant 0 : i32
    %dma_start3A_24 = arith.constant 0 : i32
    %dma_start3A_25 = tpu.memref_slice %arg4[%dma_start3A_23, %dma_start3A_24] : memref<200000x64xf32, #tpu.memory_space<hbm>> -> memref<200000x64xf32, #tpu.memory_space<hbm>>
    tpu.enqueue_indirect_dma source(%dma_start3A_25 : memref<200000x64xf32, #tpu.memory_space<hbm>>) target(%arg14 : memref<416x64xf32, #tpu.memory_space<vmem>>) offsets(%dma_start3A_22 : memref<416xi32, #tpu.memory_space<vmem>>) semaphore(%arg20 : memref<!tpu.dma_semaphore, #tpu.memory_space<semaphore_mem>>)
    %dma_wait3A = arith.constant 0 : i32
    %dma_wait3A_26 = tpu.memref_slice %arg9[%dma_wait3A] : memref<832xi32, #tpu.memory_space<vmem>> -> memref<416xi32, #tpu.memory_space<vmem>>
    %dma_wait3A_27 = arith.constant 0 : i32
    %dma_wait3A_28 = arith.constant 0 : i32
    %dma_wait3A_29 = tpu.memref_slice %arg4[%dma_wait3A_27, %dma_wait3A_28] : memref<200000x64xf32, #tpu.memory_space<hbm>> -> memref<200000x64xf32, #tpu.memory_space<hbm>>
    tpu.wait_indirect_dma semaphore(%arg17 : memref<!tpu.dma_semaphore, #tpu.memory_space<semaphore_mem>>) src(%dma_wait3A_29 : memref<200000x64xf32, #tpu.memory_space<hbm>>) dst(%arg11 : memref<416x64xf32, #tpu.memory_space<vmem>>)
    %dma_wait3A_30 = arith.constant 0 : i32
    %dma_wait3A_31 = tpu.memref_slice %arg10[%dma_wait3A_30] : memref<832xi32, #tpu.memory_space<vmem>> -> memref<416xi32, #tpu.memory_space<vmem>>
    %dma_wait3A_32 = arith.constant 0 : i32
    %dma_wait3A_33 = arith.constant 0 : i32
    %dma_wait3A_34 = tpu.memref_slice %arg4[%dma_wait3A_32, %dma_wait3A_33] : memref<200000x64xf32, #tpu.memory_space<hbm>> -> memref<200000x64xf32, #tpu.memory_space<hbm>>
    tpu.wait_indirect_dma semaphore(%arg18 : memref<!tpu.dma_semaphore, #tpu.memory_space<semaphore_mem>>) src(%dma_wait3A_34 : memref<200000x64xf32, #tpu.memory_space<hbm>>) dst(%arg12 : memref<416x64xf32, #tpu.memory_space<vmem>>)
    %add3A_35 = arith.constant 0 : i32
    %add3A_36 = arith.addi %mul3A_2, %add3A_35 : i32
    "tpu.region"() ({
      %run_scoped3A = tpu.sem_alloc : memref<!tpu.dma_semaphore, #tpu.memory_space<semaphore_mem>>
      %dma_start3A_51 = arith.constant 0 : i32
      %dma_start3A_52 = tpu.memref_slice %arg7[%add3A_36, %dma_start3A_51] : memref<26624x128xf32, #tpu.memory_space<hbm>> -> memref<416x64xf32, #tpu.memory_space<hbm>>
      %dma_start3A_53 = arith.constant 0 : i32
      %dma_start3A_54 = tpu.memref_slice %arg7[%add3A_36, %dma_start3A_53] : memref<26624x128xf32, #tpu.memory_space<hbm>> -> memref<416x64xf32, #tpu.memory_space<hbm>>
      tpu.enqueue_dma source(%arg11 : memref<416x64xf32, #tpu.memory_space<vmem>>) target(%dma_start3A_54 : memref<416x64xf32, #tpu.memory_space<hbm>>) target_semaphore(%run_scoped3A : memref<!tpu.dma_semaphore, #tpu.memory_space<semaphore_mem>>)
      %dma_wait3A_55 = arith.constant 0 : i32
      %dma_wait3A_56 = tpu.memref_slice %arg7[%add3A_36, %dma_wait3A_55] : memref<26624x128xf32, #tpu.memory_space<hbm>> -> memref<416x64xf32, #tpu.memory_space<hbm>>
      %dma_wait3A_57 = arith.constant 0 : i32
      %dma_wait3A_58 = tpu.memref_slice %arg7[%add3A_36, %dma_wait3A_57] : memref<26624x128xf32, #tpu.memory_space<hbm>> -> memref<416x64xf32, #tpu.memory_space<hbm>>
      tpu.wait_dma2 semaphore(%run_scoped3A : memref<!tpu.dma_semaphore, #tpu.memory_space<semaphore_mem>>) src(%arg11 : memref<416x64xf32, #tpu.memory_space<vmem>>) dst(%dma_wait3A_58 : memref<416x64xf32, #tpu.memory_space<hbm>>)
      tpu.yield
    }) : () -> ()
    "tpu.region"() ({
      %run_scoped3A = tpu.sem_alloc : memref<!tpu.dma_semaphore, #tpu.memory_space<semaphore_mem>>
      %dma_start3A_51 = arith.constant 64 : i32
      %dma_start3A_52 = tpu.memref_slice %arg7[%add3A_36, %dma_start3A_51] : memref<26624x128xf32, #tpu.memory_space<hbm>> -> memref<416x64xf32, #tpu.memory_space<hbm>>
      %dma_start3A_53 = arith.constant 64 : i32
      %dma_start3A_54 = tpu.memref_slice %arg7[%add3A_36, %dma_start3A_53] : memref<26624x128xf32, #tpu.memory_space<hbm>> -> memref<416x64xf32, #tpu.memory_space<hbm>>
      tpu.enqueue_dma source(%arg12 : memref<416x64xf32, #tpu.memory_space<vmem>>) target(%dma_start3A_54 : memref<416x64xf32, #tpu.memory_space<hbm>>) target_semaphore(%run_scoped3A : memref<!tpu.dma_semaphore, #tpu.memory_space<semaphore_mem>>)
      %dma_wait3A_55 = arith.constant 64 : i32
      %dma_wait3A_56 = tpu.memref_slice %arg7[%add3A_36, %dma_wait3A_55] : memref<26624x128xf32, #tpu.memory_space<hbm>> -> memref<416x64xf32, #tpu.memory_space<hbm>>
      %dma_wait3A_57 = arith.constant 64 : i32
      %dma_wait3A_58 = tpu.memref_slice %arg7[%add3A_36, %dma_wait3A_57] : memref<26624x128xf32, #tpu.memory_space<hbm>> -> memref<416x64xf32, #tpu.memory_space<hbm>>
      tpu.wait_dma2 semaphore(%run_scoped3A : memref<!tpu.dma_semaphore, #tpu.memory_space<semaphore_mem>>) src(%arg12 : memref<416x64xf32, #tpu.memory_space<vmem>>) dst(%dma_wait3A_58 : memref<416x64xf32, #tpu.memory_space<hbm>>)
      tpu.yield
    }) : () -> ()
    %dma_wait3A_37 = arith.constant 416 : i32
    %dma_wait3A_38 = tpu.memref_slice %arg9[%dma_wait3A_37] : memref<832xi32, #tpu.memory_space<vmem>> -> memref<416xi32, #tpu.memory_space<vmem>>
    %dma_wait3A_39 = arith.constant 0 : i32
    %dma_wait3A_40 = arith.constant 0 : i32
    %dma_wait3A_41 = tpu.memref_slice %arg4[%dma_wait3A_39, %dma_wait3A_40] : memref<200000x64xf32, #tpu.memory_space<hbm>> -> memref<200000x64xf32, #tpu.memory_space<hbm>>
    tpu.wait_indirect_dma semaphore(%arg19 : memref<!tpu.dma_semaphore, #tpu.memory_space<semaphore_mem>>) src(%dma_wait3A_41 : memref<200000x64xf32, #tpu.memory_space<hbm>>) dst(%arg13 : memref<416x64xf32, #tpu.memory_space<vmem>>)
    %dma_wait3A_42 = arith.constant 416 : i32
    %dma_wait3A_43 = tpu.memref_slice %arg10[%dma_wait3A_42] : memref<832xi32, #tpu.memory_space<vmem>> -> memref<416xi32, #tpu.memory_space<vmem>>
    %dma_wait3A_44 = arith.constant 0 : i32
    %dma_wait3A_45 = arith.constant 0 : i32
    %dma_wait3A_46 = tpu.memref_slice %arg4[%dma_wait3A_44, %dma_wait3A_45] : memref<200000x64xf32, #tpu.memory_space<hbm>> -> memref<200000x64xf32, #tpu.memory_space<hbm>>
    tpu.wait_indirect_dma semaphore(%arg20 : memref<!tpu.dma_semaphore, #tpu.memory_space<semaphore_mem>>) src(%dma_wait3A_46 : memref<200000x64xf32, #tpu.memory_space<hbm>>) dst(%arg14 : memref<416x64xf32, #tpu.memory_space<vmem>>)
    %add3A_47 = arith.constant 416 : i32
    %add3A_48 = arith.addi %mul3A_2, %add3A_47 : i32
    "tpu.region"() ({
      %run_scoped3A = tpu.sem_alloc : memref<!tpu.dma_semaphore, #tpu.memory_space<semaphore_mem>>
      %dma_start3A_51 = arith.constant 0 : i32
      %dma_start3A_52 = tpu.memref_slice %arg7[%add3A_48, %dma_start3A_51] : memref<26624x128xf32, #tpu.memory_space<hbm>> -> memref<416x64xf32, #tpu.memory_space<hbm>>
      %dma_start3A_53 = arith.constant 0 : i32
      %dma_start3A_54 = tpu.memref_slice %arg7[%add3A_48, %dma_start3A_53] : memref<26624x128xf32, #tpu.memory_space<hbm>> -> memref<416x64xf32, #tpu.memory_space<hbm>>
      tpu.enqueue_dma source(%arg13 : memref<416x64xf32, #tpu.memory_space<vmem>>) target(%dma_start3A_54 : memref<416x64xf32, #tpu.memory_space<hbm>>) target_semaphore(%run_scoped3A : memref<!tpu.dma_semaphore, #tpu.memory_space<semaphore_mem>>)
      %dma_wait3A_55 = arith.constant 0 : i32
      %dma_wait3A_56 = tpu.memref_slice %arg7[%add3A_48, %dma_wait3A_55] : memref<26624x128xf32, #tpu.memory_space<hbm>> -> memref<416x64xf32, #tpu.memory_space<hbm>>
      %dma_wait3A_57 = arith.constant 0 : i32
      %dma_wait3A_58 = tpu.memref_slice %arg7[%add3A_48, %dma_wait3A_57] : memref<26624x128xf32, #tpu.memory_space<hbm>> -> memref<416x64xf32, #tpu.memory_space<hbm>>
      tpu.wait_dma2 semaphore(%run_scoped3A : memref<!tpu.dma_semaphore, #tpu.memory_space<semaphore_mem>>) src(%arg13 : memref<416x64xf32, #tpu.memory_space<vmem>>) dst(%dma_wait3A_58 : memref<416x64xf32, #tpu.memory_space<hbm>>)
      tpu.yield
    }) : () -> ()
    "tpu.region"() ({
      %run_scoped3A = tpu.sem_alloc : memref<!tpu.dma_semaphore, #tpu.memory_space<semaphore_mem>>
      %dma_start3A_51 = arith.constant 64 : i32
      %dma_start3A_52 = tpu.memref_slice %arg7[%add3A_48, %dma_start3A_51] : memref<26624x128xf32, #tpu.memory_space<hbm>> -> memref<416x64xf32, #tpu.memory_space<hbm>>
      %dma_start3A_53 = arith.constant 64 : i32
      %dma_start3A_54 = tpu.memref_slice %arg7[%add3A_48, %dma_start3A_53] : memref<26624x128xf32, #tpu.memory_space<hbm>> -> memref<416x64xf32, #tpu.memory_space<hbm>>
      tpu.enqueue_dma source(%arg14 : memref<416x64xf32, #tpu.memory_space<vmem>>) target(%dma_start3A_54 : memref<416x64xf32, #tpu.memory_space<hbm>>) target_semaphore(%run_scoped3A : memref<!tpu.dma_semaphore, #tpu.memory_space<semaphore_mem>>)
      %dma_wait3A_55 = arith.constant 64 : i32
      %dma_wait3A_56 = tpu.memref_slice %arg7[%add3A_48, %dma_wait3A_55] : memref<26624x128xf32, #tpu.memory_space<hbm>> -> memref<416x64xf32, #tpu.memory_space<hbm>>
      %dma_wait3A_57 = arith.constant 64 : i32
      %dma_wait3A_58 = tpu.memref_slice %arg7[%add3A_48, %dma_wait3A_57] : memref<26624x128xf32, #tpu.memory_space<hbm>> -> memref<416x64xf32, #tpu.memory_space<hbm>>
      tpu.wait_dma2 semaphore(%run_scoped3A : memref<!tpu.dma_semaphore, #tpu.memory_space<semaphore_mem>>) src(%arg14 : memref<416x64xf32, #tpu.memory_space<vmem>>) dst(%dma_wait3A_58 : memref<416x64xf32, #tpu.memory_space<hbm>>)
      tpu.yield
    }) : () -> ()
    %dma_wait3A_49 = arith.constant 0 : i32
    %dma_wait3A_50 = tpu.memref_slice %arg5[%dma_wait3A_49] : memref<100000xf32, #tpu.memory_space<hbm>> -> memref<100000xf32, #tpu.memory_space<hbm>>
    tpu.wait_indirect_dma semaphore(%arg21 : memref<!tpu.dma_semaphore, #tpu.memory_space<semaphore_mem>>) src(%dma_wait3A_50 : memref<100000xf32, #tpu.memory_space<hbm>>) dst(%arg16 : memref<1664xf32, #tpu.memory_space<vmem>>)
    "tpu.region"() ({
      %run_scoped3A = tpu.sem_alloc : memref<!tpu.dma_semaphore, #tpu.memory_space<semaphore_mem>>
      %dma_start3A_51 = tpu.memref_slice %arg8[%mul3A_4] : memref<53248xf32, #tpu.memory_space<hbm>> -> memref<1664xf32, #tpu.memory_space<hbm>>
      %dma_start3A_52 = tpu.memref_slice %arg8[%mul3A_4] : memref<53248xf32, #tpu.memory_space<hbm>> -> memref<1664xf32, #tpu.memory_space<hbm>>
      tpu.enqueue_dma source(%arg16 : memref<1664xf32, #tpu.memory_space<vmem>>) target(%dma_start3A_52 : memref<1664xf32, #tpu.memory_space<hbm>>) target_semaphore(%run_scoped3A : memref<!tpu.dma_semaphore, #tpu.memory_space<semaphore_mem>>)
      %dma_wait3A_53 = tpu.memref_slice %arg8[%mul3A_4] : memref<53248xf32, #tpu.memory_space<hbm>> -> memref<1664xf32, #tpu.memory_space<hbm>>
      %dma_wait3A_54 = tpu.memref_slice %arg8[%mul3A_4] : memref<53248xf32, #tpu.memory_space<hbm>> -> memref<1664xf32, #tpu.memory_space<hbm>>
      tpu.wait_dma2 semaphore(%run_scoped3A : memref<!tpu.dma_semaphore, #tpu.memory_space<semaphore_mem>>) src(%arg16 : memref<1664xf32, #tpu.memory_space<vmem>>) dst(%dma_wait3A_54 : memref<1664xf32, #tpu.memory_space<hbm>>)
      tpu.yield
    }) : () -> ()
    return
  }
}

module attributes {stable_mosaic.version = 14 : i64} {
  func.func @_mlp_body(%arg0: i32, %arg1: memref<13x1024x128xf32, #tpu.memory_space<vmem>>, %arg2: memref<1024x26xf32, #tpu.memory_space<vmem>>, %arg3: memref<1664x256xf32, #tpu.memory_space<vmem>>, %arg4: memref<256x256xf32, #tpu.memory_space<vmem>>, %arg5: memref<256x256xf32, #tpu.memory_space<vmem>>, %arg6: memref<256x256xf32, #tpu.memory_space<vmem>>, %arg7: memref<256x256xf32, #tpu.memory_space<vmem>>, %arg8: memref<256x256xf32, #tpu.memory_space<vmem>>, %arg9: memref<256x256xf32, #tpu.memory_space<vmem>>, %arg10: memref<256x256xf32, #tpu.memory_space<vmem>>, %arg11: memref<256x256xf32, #tpu.memory_space<vmem>>, %arg12: memref<256x256xf32, #tpu.memory_space<vmem>>, %arg13: memref<256x256xf32, #tpu.memory_space<vmem>>, %arg14: memref<256x256xf32, #tpu.memory_space<vmem>>, %arg15: memref<256x256xf32, #tpu.memory_space<vmem>>, %arg16: memref<256x256xf32, #tpu.memory_space<vmem>>, %arg17: memref<256x256xf32, #tpu.memory_space<vmem>>, %arg18: memref<256x256xf32, #tpu.memory_space<vmem>>, %arg19: memref<256x256xf32, #tpu.memory_space<vmem>>, %arg20: memref<256x256xf32, #tpu.memory_space<vmem>>, %arg21: memref<256x256xf32, #tpu.memory_space<vmem>>, %arg22: memref<256x256xf32, #tpu.memory_space<vmem>>, %arg23: memref<256x256xf32, #tpu.memory_space<vmem>>, %arg24: memref<256x256xf32, #tpu.memory_space<vmem>>, %arg25: memref<256x256xf32, #tpu.memory_space<vmem>>, %arg26: memref<256x256xf32, #tpu.memory_space<vmem>>, %arg27: memref<256x256xf32, #tpu.memory_space<vmem>>, %arg28: memref<256x256xf32, #tpu.memory_space<vmem>>, %arg29: memref<26x256xf32, #tpu.memory_space<vmem>>, %arg30: memref<256x1xf32, #tpu.memory_space<vmem>>, %arg31: memref<3xf32, #tpu.memory_space<smem>>, %arg32: memref<1024x1xf32, #tpu.memory_space<vmem>>) attributes {dimension_semantics = [#tpu.dimension_semantics<arbitrary>], iteration_bounds = array<i64: 2>, scalar_prefetch = 0 : i64, scratch_operands = 0 : i64, tpu.core_type = #tpu.core_type<tc>, window_params = [{transform_indices = @transform_0, window_bounds = array<i64: 13, 1024, 128>}, {transform_indices = @transform_1, window_bounds = array<i64: 1024, 26>}, {pipeline_mode = #tpu.pipeline_mode<synchronous>, transform_indices = @transform_2, window_bounds = array<i64: 1664, 256>}, {pipeline_mode = #tpu.pipeline_mode<synchronous>, transform_indices = @transform_3, window_bounds = array<i64: 256, 256>}, {pipeline_mode = #tpu.pipeline_mode<synchronous>, transform_indices = @transform_4, window_bounds = array<i64: 256, 256>}, {pipeline_mode = #tpu.pipeline_mode<synchronous>, transform_indices = @transform_5, window_bounds = array<i64: 256, 256>}, {pipeline_mode = #tpu.pipeline_mode<synchronous>, transform_indices = @transform_6, window_bounds = array<i64: 256, 256>}, {pipeline_mode = #tpu.pipeline_mode<synchronous>, transform_indices = @transform_7, window_bounds = array<i64: 256, 256>}, {pipeline_mode = #tpu.pipeline_mode<synchronous>, transform_indices = @transform_8, window_bounds = array<i64: 256, 256>}, {pipeline_mode = #tpu.pipeline_mode<synchronous>, transform_indices = @transform_9, window_bounds = array<i64: 256, 256>}, {pipeline_mode = #tpu.pipeline_mode<synchronous>, transform_indices = @transform_10, window_bounds = array<i64: 256, 256>}, {pipeline_mode = #tpu.pipeline_mode<synchronous>, transform_indices = @transform_11, window_bounds = array<i64: 256, 256>}, {pipeline_mode = #tpu.pipeline_mode<synchronous>, transform_indices = @transform_12, window_bounds = array<i64: 256, 256>}, {pipeline_mode = #tpu.pipeline_mode<synchronous>, transform_indices = @transform_13, window_bounds = array<i64: 256, 256>}, {pipeline_mode = #tpu.pipeline_mode<synchronous>, transform_indices = @transform_14, window_bounds = array<i64: 256, 256>}, {pipeline_mode = #tpu.pipeline_mode<synchronous>, transform_indices = @transform_15, window_bounds = array<i64: 256, 256>}, {pipeline_mode = #tpu.pipeline_mode<synchronous>, transform_indices = @transform_16, window_bounds = array<i64: 256, 256>}, {pipeline_mode = #tpu.pipeline_mode<synchronous>, transform_indices = @transform_17, window_bounds = array<i64: 256, 256>}, {pipeline_mode = #tpu.pipeline_mode<synchronous>, transform_indices = @transform_18, window_bounds = array<i64: 256, 256>}, {pipeline_mode = #tpu.pipeline_mode<synchronous>, transform_indices = @transform_19, window_bounds = array<i64: 256, 256>}, {pipeline_mode = #tpu.pipeline_mode<synchronous>, transform_indices = @transform_20, window_bounds = array<i64: 256, 256>}, {pipeline_mode = #tpu.pipeline_mode<synchronous>, transform_indices = @transform_21, window_bounds = array<i64: 256, 256>}, {pipeline_mode = #tpu.pipeline_mode<synchronous>, transform_indices = @transform_22, window_bounds = array<i64: 256, 256>}, {pipeline_mode = #tpu.pipeline_mode<synchronous>, transform_indices = @transform_23, window_bounds = array<i64: 256, 256>}, {pipeline_mode = #tpu.pipeline_mode<synchronous>, transform_indices = @transform_24, window_bounds = array<i64: 256, 256>}, {pipeline_mode = #tpu.pipeline_mode<synchronous>, transform_indices = @transform_25, window_bounds = array<i64: 256, 256>}, {pipeline_mode = #tpu.pipeline_mode<synchronous>, transform_indices = @transform_26, window_bounds = array<i64: 256, 256>}, {pipeline_mode = #tpu.pipeline_mode<synchronous>, transform_indices = @transform_27, window_bounds = array<i64: 256, 256>}, {pipeline_mode = #tpu.pipeline_mode<synchronous>, transform_indices = @transform_28, window_bounds = array<i64: 26, 256>}, {pipeline_mode = #tpu.pipeline_mode<synchronous>, transform_indices = @transform_29, window_bounds = array<i64: 256, 1>}, {transform_indices = @transform_30, window_bounds = array<i64: 3>}, {transform_indices = @transform_31, window_bounds = array<i64: 1024, 1>}]} {
    %get3A = arith.constant 0 : index
    %get3A_0 = arith.constant 0 : index
    %get3A_1 = arith.constant 0 : index
    %get3A_2 = vector.load %arg1[%get3A, %get3A_0, %get3A_1] : memref<13x1024x128xf32, #tpu.memory_space<vmem>>, vector<13x1024x128xf32>
    %slice3A = vector.extract_strided_slice %get3A_2 {offsets = [0, 0, 0], sizes = [1, 1024, 128], strides = [1, 1, 1]} : vector<13x1024x128xf32> to vector<1x1024x128xf32>
    %squeeze3A = vector.shape_cast %slice3A : vector<1x1024x128xf32> to vector<1024x128xf32>
    %mul3A = arith.constant 1.000000e+00 : f32
    %mul3A_3 = vector.broadcast %mul3A : f32 to vector<1024x128xf32>
    %mul3A_4 = arith.mulf %squeeze3A, %mul3A_3 : vector<1024x128xf32>
    %slice3A_5 = vector.extract_strided_slice %get3A_2 {offsets = [0, 0, 0], sizes = [1, 1024, 128], strides = [1, 1, 1]} : vector<13x1024x128xf32> to vector<1x1024x128xf32>
    %squeeze3A_6 = vector.shape_cast %slice3A_5 : vector<1x1024x128xf32> to vector<1024x128xf32>
    %slice3A_7 = vector.extract_strided_slice %get3A_2 {offsets = [0, 0, 0], sizes = [1, 1024, 128], strides = [1, 1, 1]} : vector<13x1024x128xf32> to vector<1x1024x128xf32>
    %squeeze3A_8 = vector.shape_cast %slice3A_7 : vector<1x1024x128xf32> to vector<1024x128xf32>
    %mul3A_9 = arith.mulf %squeeze3A_6, %squeeze3A_8 : vector<1024x128xf32>
    %slice3A_10 = vector.extract_strided_slice %get3A_2 {offsets = [1, 0, 0], sizes = [1, 1024, 128], strides = [1, 1, 1]} : vector<13x1024x128xf32> to vector<1x1024x128xf32>
    %squeeze3A_11 = vector.shape_cast %slice3A_10 : vector<1x1024x128xf32> to vector<1024x128xf32>
    %add3A = arith.addf %mul3A_4, %squeeze3A_11 : vector<1024x128xf32>
    %mul3A_12 = arith.mulf %squeeze3A_11, %squeeze3A_11 : vector<1024x128xf32>
    %add3A_13 = arith.addf %mul3A_9, %mul3A_12 : vector<1024x128xf32>
    %slice3A_14 = vector.extract_strided_slice %get3A_2 {offsets = [2, 0, 0], sizes = [1, 1024, 128], strides = [1, 1, 1]} : vector<13x1024x128xf32> to vector<1x1024x128xf32>
    %squeeze3A_15 = vector.shape_cast %slice3A_14 : vector<1x1024x128xf32> to vector<1024x128xf32>
    %add3A_16 = arith.addf %add3A, %squeeze3A_15 : vector<1024x128xf32>
    %mul3A_17 = arith.mulf %squeeze3A_15, %squeeze3A_15 : vector<1024x128xf32>
    %add3A_18 = arith.addf %add3A_13, %mul3A_17 : vector<1024x128xf32>
    %slice3A_19 = vector.extract_strided_slice %get3A_2 {offsets = [3, 0, 0], sizes = [1, 1024, 128], strides = [1, 1, 1]} : vector<13x1024x128xf32> to vector<1x1024x128xf32>
    %squeeze3A_20 = vector.shape_cast %slice3A_19 : vector<1x1024x128xf32> to vector<1024x128xf32>
    %add3A_21 = arith.addf %add3A_16, %squeeze3A_20 : vector<1024x128xf32>
    %mul3A_22 = arith.mulf %squeeze3A_20, %squeeze3A_20 : vector<1024x128xf32>
    %add3A_23 = arith.addf %add3A_18, %mul3A_22 : vector<1024x128xf32>
    %slice3A_24 = vector.extract_strided_slice %get3A_2 {offsets = [4, 0, 0], sizes = [1, 1024, 128], strides = [1, 1, 1]} : vector<13x1024x128xf32> to vector<1x1024x128xf32>
    %squeeze3A_25 = vector.shape_cast %slice3A_24 : vector<1x1024x128xf32> to vector<1024x128xf32>
    %add3A_26 = arith.addf %add3A_21, %squeeze3A_25 : vector<1024x128xf32>
    %mul3A_27 = arith.mulf %squeeze3A_25, %squeeze3A_25 : vector<1024x128xf32>
    %add3A_28 = arith.addf %add3A_23, %mul3A_27 : vector<1024x128xf32>
    %slice3A_29 = vector.extract_strided_slice %get3A_2 {offsets = [5, 0, 0], sizes = [1, 1024, 128], strides = [1, 1, 1]} : vector<13x1024x128xf32> to vector<1x1024x128xf32>
    %squeeze3A_30 = vector.shape_cast %slice3A_29 : vector<1x1024x128xf32> to vector<1024x128xf32>
    %add3A_31 = arith.addf %add3A_26, %squeeze3A_30 : vector<1024x128xf32>
    %mul3A_32 = arith.mulf %squeeze3A_30, %squeeze3A_30 : vector<1024x128xf32>
    %add3A_33 = arith.addf %add3A_28, %mul3A_32 : vector<1024x128xf32>
    %slice3A_34 = vector.extract_strided_slice %get3A_2 {offsets = [6, 0, 0], sizes = [1, 1024, 128], strides = [1, 1, 1]} : vector<13x1024x128xf32> to vector<1x1024x128xf32>
    %squeeze3A_35 = vector.shape_cast %slice3A_34 : vector<1x1024x128xf32> to vector<1024x128xf32>
    %add3A_36 = arith.addf %add3A_31, %squeeze3A_35 : vector<1024x128xf32>
    %mul3A_37 = arith.mulf %squeeze3A_35, %squeeze3A_35 : vector<1024x128xf32>
    %add3A_38 = arith.addf %add3A_33, %mul3A_37 : vector<1024x128xf32>
    %slice3A_39 = vector.extract_strided_slice %get3A_2 {offsets = [7, 0, 0], sizes = [1, 1024, 128], strides = [1, 1, 1]} : vector<13x1024x128xf32> to vector<1x1024x128xf32>
    %squeeze3A_40 = vector.shape_cast %slice3A_39 : vector<1x1024x128xf32> to vector<1024x128xf32>
    %add3A_41 = arith.addf %add3A_36, %squeeze3A_40 : vector<1024x128xf32>
    %mul3A_42 = arith.mulf %squeeze3A_40, %squeeze3A_40 : vector<1024x128xf32>
    %add3A_43 = arith.addf %add3A_38, %mul3A_42 : vector<1024x128xf32>
    %slice3A_44 = vector.extract_strided_slice %get3A_2 {offsets = [8, 0, 0], sizes = [1, 1024, 128], strides = [1, 1, 1]} : vector<13x1024x128xf32> to vector<1x1024x128xf32>
    %squeeze3A_45 = vector.shape_cast %slice3A_44 : vector<1x1024x128xf32> to vector<1024x128xf32>
    %add3A_46 = arith.addf %add3A_41, %squeeze3A_45 : vector<1024x128xf32>
    %mul3A_47 = arith.mulf %squeeze3A_45, %squeeze3A_45 : vector<1024x128xf32>
    %add3A_48 = arith.addf %add3A_43, %mul3A_47 : vector<1024x128xf32>
    %slice3A_49 = vector.extract_strided_slice %get3A_2 {offsets = [9, 0, 0], sizes = [1, 1024, 128], strides = [1, 1, 1]} : vector<13x1024x128xf32> to vector<1x1024x128xf32>
    %squeeze3A_50 = vector.shape_cast %slice3A_49 : vector<1x1024x128xf32> to vector<1024x128xf32>
    %add3A_51 = arith.addf %add3A_46, %squeeze3A_50 : vector<1024x128xf32>
    %mul3A_52 = arith.mulf %squeeze3A_50, %squeeze3A_50 : vector<1024x128xf32>
    %add3A_53 = arith.addf %add3A_48, %mul3A_52 : vector<1024x128xf32>
    %slice3A_54 = vector.extract_strided_slice %get3A_2 {offsets = [10, 0, 0], sizes = [1, 1024, 128], strides = [1, 1, 1]} : vector<13x1024x128xf32> to vector<1x1024x128xf32>
    %squeeze3A_55 = vector.shape_cast %slice3A_54 : vector<1x1024x128xf32> to vector<1024x128xf32>
    %add3A_56 = arith.addf %add3A_51, %squeeze3A_55 : vector<1024x128xf32>
    %mul3A_57 = arith.mulf %squeeze3A_55, %squeeze3A_55 : vector<1024x128xf32>
    %add3A_58 = arith.addf %add3A_53, %mul3A_57 : vector<1024x128xf32>
    %slice3A_59 = vector.extract_strided_slice %get3A_2 {offsets = [11, 0, 0], sizes = [1, 1024, 128], strides = [1, 1, 1]} : vector<13x1024x128xf32> to vector<1x1024x128xf32>
    %squeeze3A_60 = vector.shape_cast %slice3A_59 : vector<1x1024x128xf32> to vector<1024x128xf32>
    %add3A_61 = arith.addf %add3A_56, %squeeze3A_60 : vector<1024x128xf32>
    %mul3A_62 = arith.mulf %squeeze3A_60, %squeeze3A_60 : vector<1024x128xf32>
    %add3A_63 = arith.addf %add3A_58, %mul3A_62 : vector<1024x128xf32>
    %slice3A_64 = vector.extract_strided_slice %get3A_2 {offsets = [12, 0, 0], sizes = [1, 1024, 128], strides = [1, 1, 1]} : vector<13x1024x128xf32> to vector<1x1024x128xf32>
    %squeeze3A_65 = vector.shape_cast %slice3A_64 : vector<1x1024x128xf32> to vector<1024x128xf32>
    %add3A_66 = arith.addf %add3A_61, %squeeze3A_65 : vector<1024x128xf32>
    %mul3A_67 = arith.mulf %squeeze3A_65, %squeeze3A_65 : vector<1024x128xf32>
    %add3A_68 = arith.addf %add3A_63, %mul3A_67 : vector<1024x128xf32>
    %slice3A_69 = vector.extract_strided_slice %add3A_66 {offsets = [0, 0], sizes = [1024, 64], strides = [1, 1]} : vector<1024x128xf32> to vector<1024x64xf32>
    %slice3A_70 = vector.extract_strided_slice %add3A_66 {offsets = [0, 64], sizes = [1024, 64], strides = [1, 1]} : vector<1024x128xf32> to vector<1024x64xf32>
    %add3A_71 = arith.addf %slice3A_69, %slice3A_70 : vector<1024x64xf32>
    %mul3A_72 = arith.mulf %add3A_71, %add3A_71 : vector<1024x64xf32>
    %reduce_sum3A = arith.constant dense<0.000000e+00> : vector<1024xf32>
    %reduce_sum3A_73 = vector.multi_reduction <add>, %mul3A_72, %reduce_sum3A [1] : vector<1024x64xf32> to vector<1024xf32>
    %broadcast_in_dim3A = vector.shape_cast %reduce_sum3A_73 : vector<1024xf32> to vector<1024x1xf32>
    %reduce_sum3A_74 = arith.constant dense<0.000000e+00> : vector<1024xf32>
    %reduce_sum3A_75 = vector.multi_reduction <add>, %add3A_68, %reduce_sum3A_74 [1] : vector<1024x128xf32> to vector<1024xf32>
    %broadcast_in_dim3A_76 = vector.shape_cast %reduce_sum3A_75 : vector<1024xf32> to vector<1024x1xf32>
    %sub3A = arith.subf %broadcast_in_dim3A, %broadcast_in_dim3A_76 : vector<1024x1xf32>
    %mul3A_77 = arith.constant 5.000000e-01 : f32
    %mul3A_78 = vector.broadcast %mul3A_77 : f32 to vector<1024x1xf32>
    %mul3A_79 = arith.mulf %mul3A_78, %sub3A : vector<1024x1xf32>
    %get3A_80 = arith.constant 0 : index
    %get3A_81 = arith.constant 0 : index
    %get3A_82 = vector.load %arg2[%get3A_80, %get3A_81] : memref<1024x26xf32, #tpu.memory_space<vmem>>, vector<1024x26xf32>
    %reduce_sum3A_83 = arith.constant dense<0.000000e+00> : vector<1024xf32>
    %reduce_sum3A_84 = vector.multi_reduction <add>, %get3A_82, %reduce_sum3A_83 [1] : vector<1024x26xf32> to vector<1024xf32>
    %broadcast_in_dim3A_85 = vector.shape_cast %reduce_sum3A_84 : vector<1024xf32> to vector<1024x1xf32>
    %get3A_86 = arith.constant 0 : index
    %get3A_87 = memref.load %arg31[%get3A_86] : memref<3xf32, #tpu.memory_space<smem>>
    %get3A_88 = arith.constant 1 : index
    %get3A_89 = memref.load %arg31[%get3A_88] : memref<3xf32, #tpu.memory_space<smem>>
    %get3A_90 = arith.constant 2 : index
    %get3A_91 = memref.load %arg31[%get3A_90] : memref<3xf32, #tpu.memory_space<smem>>
    %add3A_92 = vector.broadcast %get3A_87 : f32 to vector<1024x1xf32>
    %add3A_93 = arith.addf %add3A_92, %broadcast_in_dim3A_85 : vector<1024x1xf32>
    %add3A_94 = arith.addf %add3A_93, %mul3A_79 : vector<1024x1xf32>
    %slice3A_95 = vector.extract_strided_slice %get3A_2 {offsets = [0, 0, 0], sizes = [1, 1024, 128], strides = [1, 1, 1]} : vector<13x1024x128xf32> to vector<1x1024x128xf32>
    %squeeze3A_96 = vector.shape_cast %slice3A_95 : vector<1x1024x128xf32> to vector<1024x128xf32>
    %convert_element_type3A = arith.truncf %squeeze3A_96 : vector<1024x128xf32> to vector<1024x128xbf16>
    %get3A_97 = arith.constant 0 : index
    %get3A_98 = arith.constant 0 : index
    %get3A_99 = vector.load %arg3[%get3A_97, %get3A_98] : memref<1664x256xf32, #tpu.memory_space<vmem>>, vector<128x256xf32>
    %convert_element_type3A_100 = arith.truncf %get3A_99 : vector<128x256xf32> to vector<128x256xbf16>
    %dot_general3A = arith.constant dense<0.000000e+00> : vector<1024x256xf32>
    %dot_general3A_101 = tpu.matmul %convert_element_type3A, %convert_element_type3A_100, %dot_general3A {dimension_numbers = #tpu.dot_dimension_numbers<[1], [0], [0], [1], [0, 0, 1, 1], [], []>, transpose_lhs_hint = false} : vector<1024x128xbf16>, vector<128x256xbf16>, vector<1024x256xf32> -> vector<1024x256xf32>
    %slice3A_102 = vector.extract_strided_slice %get3A_2 {offsets = [1, 0, 0], sizes = [1, 1024, 128], strides = [1, 1, 1]} : vector<13x1024x128xf32> to vector<1x1024x128xf32>
    %squeeze3A_103 = vector.shape_cast %slice3A_102 : vector<1x1024x128xf32> to vector<1024x128xf32>
    %convert_element_type3A_104 = arith.truncf %squeeze3A_103 : vector<1024x128xf32> to vector<1024x128xbf16>
    %get3A_105 = arith.constant 128 : index
    %get3A_106 = arith.constant 0 : index
    %get3A_107 = vector.load %arg3[%get3A_105, %get3A_106] : memref<1664x256xf32, #tpu.memory_space<vmem>>, vector<128x256xf32>
    %convert_element_type3A_108 = arith.truncf %get3A_107 : vector<128x256xf32> to vector<128x256xbf16>
    %dot_general3A_109 = arith.constant dense<0.000000e+00> : vector<1024x256xf32>
    %dot_general3A_110 = tpu.matmul %convert_element_type3A_104, %convert_element_type3A_108, %dot_general3A_109 {dimension_numbers = #tpu.dot_dimension_numbers<[1], [0], [0], [1], [0, 0, 1, 1], [], []>, transpose_lhs_hint = false} : vector<1024x128xbf16>, vector<128x256xbf16>, vector<1024x256xf32> -> vector<1024x256xf32>
    %add3A_111 = arith.addf %dot_general3A_101, %dot_general3A_110 : vector<1024x256xf32>
    %slice3A_112 = vector.extract_strided_slice %get3A_2 {offsets = [2, 0, 0], sizes = [1, 1024, 128], strides = [1, 1, 1]} : vector<13x1024x128xf32> to vector<1x1024x128xf32>
    %squeeze3A_113 = vector.shape_cast %slice3A_112 : vector<1x1024x128xf32> to vector<1024x128xf32>
    %convert_element_type3A_114 = arith.truncf %squeeze3A_113 : vector<1024x128xf32> to vector<1024x128xbf16>
    %get3A_115 = arith.constant 256 : index
    %get3A_116 = arith.constant 0 : index
    %get3A_117 = vector.load %arg3[%get3A_115, %get3A_116] : memref<1664x256xf32, #tpu.memory_space<vmem>>, vector<128x256xf32>
    %convert_element_type3A_118 = arith.truncf %get3A_117 : vector<128x256xf32> to vector<128x256xbf16>
    %dot_general3A_119 = arith.constant dense<0.000000e+00> : vector<1024x256xf32>
    %dot_general3A_120 = tpu.matmul %convert_element_type3A_114, %convert_element_type3A_118, %dot_general3A_119 {dimension_numbers = #tpu.dot_dimension_numbers<[1], [0], [0], [1], [0, 0, 1, 1], [], []>, transpose_lhs_hint = false} : vector<1024x128xbf16>, vector<128x256xbf16>, vector<1024x256xf32> -> vector<1024x256xf32>
    %add3A_121 = arith.addf %add3A_111, %dot_general3A_120 : vector<1024x256xf32>
    %slice3A_122 = vector.extract_strided_slice %get3A_2 {offsets = [3, 0, 0], sizes = [1, 1024, 128], strides = [1, 1, 1]} : vector<13x1024x128xf32> to vector<1x1024x128xf32>
    %squeeze3A_123 = vector.shape_cast %slice3A_122 : vector<1x1024x128xf32> to vector<1024x128xf32>
    %convert_element_type3A_124 = arith.truncf %squeeze3A_123 : vector<1024x128xf32> to vector<1024x128xbf16>
    %get3A_125 = arith.constant 384 : index
    %get3A_126 = arith.constant 0 : index
    %get3A_127 = vector.load %arg3[%get3A_125, %get3A_126] : memref<1664x256xf32, #tpu.memory_space<vmem>>, vector<128x256xf32>
    %convert_element_type3A_128 = arith.truncf %get3A_127 : vector<128x256xf32> to vector<128x256xbf16>
    %dot_general3A_129 = arith.constant dense<0.000000e+00> : vector<1024x256xf32>
    %dot_general3A_130 = tpu.matmul %convert_element_type3A_124, %convert_element_type3A_128, %dot_general3A_129 {dimension_numbers = #tpu.dot_dimension_numbers<[1], [0], [0], [1], [0, 0, 1, 1], [], []>, transpose_lhs_hint = false} : vector<1024x128xbf16>, vector<128x256xbf16>, vector<1024x256xf32> -> vector<1024x256xf32>
    %add3A_131 = arith.addf %add3A_121, %dot_general3A_130 : vector<1024x256xf32>
    %slice3A_132 = vector.extract_strided_slice %get3A_2 {offsets = [4, 0, 0], sizes = [1, 1024, 128], strides = [1, 1, 1]} : vector<13x1024x128xf32> to vector<1x1024x128xf32>
    %squeeze3A_133 = vector.shape_cast %slice3A_132 : vector<1x1024x128xf32> to vector<1024x128xf32>
    %convert_element_type3A_134 = arith.truncf %squeeze3A_133 : vector<1024x128xf32> to vector<1024x128xbf16>
    %get3A_135 = arith.constant 512 : index
    %get3A_136 = arith.constant 0 : index
    %get3A_137 = vector.load %arg3[%get3A_135, %get3A_136] : memref<1664x256xf32, #tpu.memory_space<vmem>>, vector<128x256xf32>
    %convert_element_type3A_138 = arith.truncf %get3A_137 : vector<128x256xf32> to vector<128x256xbf16>
    %dot_general3A_139 = arith.constant dense<0.000000e+00> : vector<1024x256xf32>
    %dot_general3A_140 = tpu.matmul %convert_element_type3A_134, %convert_element_type3A_138, %dot_general3A_139 {dimension_numbers = #tpu.dot_dimension_numbers<[1], [0], [0], [1], [0, 0, 1, 1], [], []>, transpose_lhs_hint = false} : vector<1024x128xbf16>, vector<128x256xbf16>, vector<1024x256xf32> -> vector<1024x256xf32>
    %add3A_141 = arith.addf %add3A_131, %dot_general3A_140 : vector<1024x256xf32>
    %slice3A_142 = vector.extract_strided_slice %get3A_2 {offsets = [5, 0, 0], sizes = [1, 1024, 128], strides = [1, 1, 1]} : vector<13x1024x128xf32> to vector<1x1024x128xf32>
    %squeeze3A_143 = vector.shape_cast %slice3A_142 : vector<1x1024x128xf32> to vector<1024x128xf32>
    %convert_element_type3A_144 = arith.truncf %squeeze3A_143 : vector<1024x128xf32> to vector<1024x128xbf16>
    %get3A_145 = arith.constant 640 : index
    %get3A_146 = arith.constant 0 : index
    %get3A_147 = vector.load %arg3[%get3A_145, %get3A_146] : memref<1664x256xf32, #tpu.memory_space<vmem>>, vector<128x256xf32>
    %convert_element_type3A_148 = arith.truncf %get3A_147 : vector<128x256xf32> to vector<128x256xbf16>
    %dot_general3A_149 = arith.constant dense<0.000000e+00> : vector<1024x256xf32>
    %dot_general3A_150 = tpu.matmul %convert_element_type3A_144, %convert_element_type3A_148, %dot_general3A_149 {dimension_numbers = #tpu.dot_dimension_numbers<[1], [0], [0], [1], [0, 0, 1, 1], [], []>, transpose_lhs_hint = false} : vector<1024x128xbf16>, vector<128x256xbf16>, vector<1024x256xf32> -> vector<1024x256xf32>
    %add3A_151 = arith.addf %add3A_141, %dot_general3A_150 : vector<1024x256xf32>
    %slice3A_152 = vector.extract_strided_slice %get3A_2 {offsets = [6, 0, 0], sizes = [1, 1024, 128], strides = [1, 1, 1]} : vector<13x1024x128xf32> to vector<1x1024x128xf32>
    %squeeze3A_153 = vector.shape_cast %slice3A_152 : vector<1x1024x128xf32> to vector<1024x128xf32>
    %convert_element_type3A_154 = arith.truncf %squeeze3A_153 : vector<1024x128xf32> to vector<1024x128xbf16>
    %get3A_155 = arith.constant 768 : index
    %get3A_156 = arith.constant 0 : index
    %get3A_157 = vector.load %arg3[%get3A_155, %get3A_156] : memref<1664x256xf32, #tpu.memory_space<vmem>>, vector<128x256xf32>
    %convert_element_type3A_158 = arith.truncf %get3A_157 : vector<128x256xf32> to vector<128x256xbf16>
    %dot_general3A_159 = arith.constant dense<0.000000e+00> : vector<1024x256xf32>
    %dot_general3A_160 = tpu.matmul %convert_element_type3A_154, %convert_element_type3A_158, %dot_general3A_159 {dimension_numbers = #tpu.dot_dimension_numbers<[1], [0], [0], [1], [0, 0, 1, 1], [], []>, transpose_lhs_hint = false} : vector<1024x128xbf16>, vector<128x256xbf16>, vector<1024x256xf32> -> vector<1024x256xf32>
    %add3A_161 = arith.addf %add3A_151, %dot_general3A_160 : vector<1024x256xf32>
    %slice3A_162 = vector.extract_strided_slice %get3A_2 {offsets = [7, 0, 0], sizes = [1, 1024, 128], strides = [1, 1, 1]} : vector<13x1024x128xf32> to vector<1x1024x128xf32>
    %squeeze3A_163 = vector.shape_cast %slice3A_162 : vector<1x1024x128xf32> to vector<1024x128xf32>
    %convert_element_type3A_164 = arith.truncf %squeeze3A_163 : vector<1024x128xf32> to vector<1024x128xbf16>
    %get3A_165 = arith.constant 896 : index
    %get3A_166 = arith.constant 0 : index
    %get3A_167 = vector.load %arg3[%get3A_165, %get3A_166] : memref<1664x256xf32, #tpu.memory_space<vmem>>, vector<128x256xf32>
    %convert_element_type3A_168 = arith.truncf %get3A_167 : vector<128x256xf32> to vector<128x256xbf16>
    %dot_general3A_169 = arith.constant dense<0.000000e+00> : vector<1024x256xf32>
    %dot_general3A_170 = tpu.matmul %convert_element_type3A_164, %convert_element_type3A_168, %dot_general3A_169 {dimension_numbers = #tpu.dot_dimension_numbers<[1], [0], [0], [1], [0, 0, 1, 1], [], []>, transpose_lhs_hint = false} : vector<1024x128xbf16>, vector<128x256xbf16>, vector<1024x256xf32> -> vector<1024x256xf32>
    %add3A_171 = arith.addf %add3A_161, %dot_general3A_170 : vector<1024x256xf32>
    %slice3A_172 = vector.extract_strided_slice %get3A_2 {offsets = [8, 0, 0], sizes = [1, 1024, 128], strides = [1, 1, 1]} : vector<13x1024x128xf32> to vector<1x1024x128xf32>
    %squeeze3A_173 = vector.shape_cast %slice3A_172 : vector<1x1024x128xf32> to vector<1024x128xf32>
    %convert_element_type3A_174 = arith.truncf %squeeze3A_173 : vector<1024x128xf32> to vector<1024x128xbf16>
    %get3A_175 = arith.constant 1024 : index
    %get3A_176 = arith.constant 0 : index
    %get3A_177 = vector.load %arg3[%get3A_175, %get3A_176] : memref<1664x256xf32, #tpu.memory_space<vmem>>, vector<128x256xf32>
    %convert_element_type3A_178 = arith.truncf %get3A_177 : vector<128x256xf32> to vector<128x256xbf16>
    %dot_general3A_179 = arith.constant dense<0.000000e+00> : vector<1024x256xf32>
    %dot_general3A_180 = tpu.matmul %convert_element_type3A_174, %convert_element_type3A_178, %dot_general3A_179 {dimension_numbers = #tpu.dot_dimension_numbers<[1], [0], [0], [1], [0, 0, 1, 1], [], []>, transpose_lhs_hint = false} : vector<1024x128xbf16>, vector<128x256xbf16>, vector<1024x256xf32> -> vector<1024x256xf32>
    %add3A_181 = arith.addf %add3A_171, %dot_general3A_180 : vector<1024x256xf32>
    %slice3A_182 = vector.extract_strided_slice %get3A_2 {offsets = [9, 0, 0], sizes = [1, 1024, 128], strides = [1, 1, 1]} : vector<13x1024x128xf32> to vector<1x1024x128xf32>
    %squeeze3A_183 = vector.shape_cast %slice3A_182 : vector<1x1024x128xf32> to vector<1024x128xf32>
    %convert_element_type3A_184 = arith.truncf %squeeze3A_183 : vector<1024x128xf32> to vector<1024x128xbf16>
    %get3A_185 = arith.constant 1152 : index
    %get3A_186 = arith.constant 0 : index
    %get3A_187 = vector.load %arg3[%get3A_185, %get3A_186] : memref<1664x256xf32, #tpu.memory_space<vmem>>, vector<128x256xf32>
    %convert_element_type3A_188 = arith.truncf %get3A_187 : vector<128x256xf32> to vector<128x256xbf16>
    %dot_general3A_189 = arith.constant dense<0.000000e+00> : vector<1024x256xf32>
    %dot_general3A_190 = tpu.matmul %convert_element_type3A_184, %convert_element_type3A_188, %dot_general3A_189 {dimension_numbers = #tpu.dot_dimension_numbers<[1], [0], [0], [1], [0, 0, 1, 1], [], []>, transpose_lhs_hint = false} : vector<1024x128xbf16>, vector<128x256xbf16>, vector<1024x256xf32> -> vector<1024x256xf32>
    %add3A_191 = arith.addf %add3A_181, %dot_general3A_190 : vector<1024x256xf32>
    %slice3A_192 = vector.extract_strided_slice %get3A_2 {offsets = [10, 0, 0], sizes = [1, 1024, 128], strides = [1, 1, 1]} : vector<13x1024x128xf32> to vector<1x1024x128xf32>
    %squeeze3A_193 = vector.shape_cast %slice3A_192 : vector<1x1024x128xf32> to vector<1024x128xf32>
    %convert_element_type3A_194 = arith.truncf %squeeze3A_193 : vector<1024x128xf32> to vector<1024x128xbf16>
    %get3A_195 = arith.constant 1280 : index
    %get3A_196 = arith.constant 0 : index
    %get3A_197 = vector.load %arg3[%get3A_195, %get3A_196] : memref<1664x256xf32, #tpu.memory_space<vmem>>, vector<128x256xf32>
    %convert_element_type3A_198 = arith.truncf %get3A_197 : vector<128x256xf32> to vector<128x256xbf16>
    %dot_general3A_199 = arith.constant dense<0.000000e+00> : vector<1024x256xf32>
    %dot_general3A_200 = tpu.matmul %convert_element_type3A_194, %convert_element_type3A_198, %dot_general3A_199 {dimension_numbers = #tpu.dot_dimension_numbers<[1], [0], [0], [1], [0, 0, 1, 1], [], []>, transpose_lhs_hint = false} : vector<1024x128xbf16>, vector<128x256xbf16>, vector<1024x256xf32> -> vector<1024x256xf32>
    %add3A_201 = arith.addf %add3A_191, %dot_general3A_200 : vector<1024x256xf32>
    %slice3A_202 = vector.extract_strided_slice %get3A_2 {offsets = [11, 0, 0], sizes = [1, 1024, 128], strides = [1, 1, 1]} : vector<13x1024x128xf32> to vector<1x1024x128xf32>
    %squeeze3A_203 = vector.shape_cast %slice3A_202 : vector<1x1024x128xf32> to vector<1024x128xf32>
    %convert_element_type3A_204 = arith.truncf %squeeze3A_203 : vector<1024x128xf32> to vector<1024x128xbf16>
    %get3A_205 = arith.constant 1408 : index
    %get3A_206 = arith.constant 0 : index
    %get3A_207 = vector.load %arg3[%get3A_205, %get3A_206] : memref<1664x256xf32, #tpu.memory_space<vmem>>, vector<128x256xf32>
    %convert_element_type3A_208 = arith.truncf %get3A_207 : vector<128x256xf32> to vector<128x256xbf16>
    %dot_general3A_209 = arith.constant dense<0.000000e+00> : vector<1024x256xf32>
    %dot_general3A_210 = tpu.matmul %convert_element_type3A_204, %convert_element_type3A_208, %dot_general3A_209 {dimension_numbers = #tpu.dot_dimension_numbers<[1], [0], [0], [1], [0, 0, 1, 1], [], []>, transpose_lhs_hint = false} : vector<1024x128xbf16>, vector<128x256xbf16>, vector<1024x256xf32> -> vector<1024x256xf32>
    %add3A_211 = arith.addf %add3A_201, %dot_general3A_210 : vector<1024x256xf32>
    %slice3A_212 = vector.extract_strided_slice %get3A_2 {offsets = [12, 0, 0], sizes = [1, 1024, 128], strides = [1, 1, 1]} : vector<13x1024x128xf32> to vector<1x1024x128xf32>
    %squeeze3A_213 = vector.shape_cast %slice3A_212 : vector<1x1024x128xf32> to vector<1024x128xf32>
    %convert_element_type3A_214 = arith.truncf %squeeze3A_213 : vector<1024x128xf32> to vector<1024x128xbf16>
    %get3A_215 = arith.constant 1536 : index
    %get3A_216 = arith.constant 0 : index
    %get3A_217 = vector.load %arg3[%get3A_215, %get3A_216] : memref<1664x256xf32, #tpu.memory_space<vmem>>, vector<128x256xf32>
    %convert_element_type3A_218 = arith.truncf %get3A_217 : vector<128x256xf32> to vector<128x256xbf16>
    %dot_general3A_219 = arith.constant dense<0.000000e+00> : vector<1024x256xf32>
    %dot_general3A_220 = tpu.matmul %convert_element_type3A_214, %convert_element_type3A_218, %dot_general3A_219 {dimension_numbers = #tpu.dot_dimension_numbers<[1], [0], [0], [1], [0, 0, 1, 1], [], []>, transpose_lhs_hint = false} : vector<1024x128xbf16>, vector<128x256xbf16>, vector<1024x256xf32> -> vector<1024x256xf32>
    %add3A_221 = arith.addf %add3A_211, %dot_general3A_220 : vector<1024x256xf32>
    %get3A_222 = arith.constant 0 : index
    %get3A_223 = arith.constant 0 : index
    %get3A_224 = vector.load %arg29[%get3A_222, %get3A_223] : memref<26x256xf32, #tpu.memory_space<vmem>>, vector<1x256xf32>
    %get3A_225 = vector.shape_cast %get3A_224 : vector<1x256xf32> to vector<256xf32>
    %broadcast_in_dim3A_226 = vector.shape_cast %get3A_225 : vector<256xf32> to vector<1x256xf32>
    %add3A_227 = vector.broadcast %broadcast_in_dim3A_226 : vector<1x256xf32> to vector<1024x256xf32>
    %add3A_228 = arith.addf %add3A_221, %add3A_227 : vector<1024x256xf32>
    %max3A = arith.constant 0.000000e+00 : f32
    %max3A_229 = vector.broadcast %max3A : f32 to vector<1024x256xf32>
    %max3A_230 = arith.maximumf %add3A_228, %max3A_229 : vector<1024x256xf32>
    %convert_element_type3A_231 = arith.truncf %max3A_230 : vector<1024x256xf32> to vector<1024x256xbf16>
    %get3A_232 = arith.constant 0 : index
    %get3A_233 = arith.constant 0 : index
    %get3A_234 = vector.load %arg4[%get3A_232, %get3A_233] : memref<256x256xf32, #tpu.memory_space<vmem>>, vector<256x256xf32>
    %convert_element_type3A_235 = arith.truncf %get3A_234 : vector<256x256xf32> to vector<256x256xbf16>
    %dot_general3A_236 = arith.constant dense<0.000000e+00> : vector<1024x256xf32>
    %dot_general3A_237 = tpu.matmul %convert_element_type3A_231, %convert_element_type3A_235, %dot_general3A_236 {dimension_numbers = #tpu.dot_dimension_numbers<[1], [0], [0], [1], [0, 0, 1, 1], [], []>, transpose_lhs_hint = false} : vector<1024x256xbf16>, vector<256x256xbf16>, vector<1024x256xf32> -> vector<1024x256xf32>
    %get3A_238 = arith.constant 1 : index
    %get3A_239 = arith.constant 0 : index
    %get3A_240 = vector.load %arg29[%get3A_238, %get3A_239] : memref<26x256xf32, #tpu.memory_space<vmem>>, vector<1x256xf32>
    %get3A_241 = vector.shape_cast %get3A_240 : vector<1x256xf32> to vector<256xf32>
    %broadcast_in_dim3A_242 = vector.shape_cast %get3A_241 : vector<256xf32> to vector<1x256xf32>
    %add3A_243 = vector.broadcast %broadcast_in_dim3A_242 : vector<1x256xf32> to vector<1024x256xf32>
    %add3A_244 = arith.addf %dot_general3A_237, %add3A_243 : vector<1024x256xf32>
    %max3A_245 = arith.constant 0.000000e+00 : f32
    %max3A_246 = vector.broadcast %max3A_245 : f32 to vector<1024x256xf32>
    %max3A_247 = arith.maximumf %add3A_244, %max3A_246 : vector<1024x256xf32>
    %convert_element_type3A_248 = arith.truncf %max3A_247 : vector<1024x256xf32> to vector<1024x256xbf16>
    %get3A_249 = arith.constant 0 : index
    %get3A_250 = arith.constant 0 : index
    %get3A_251 = vector.load %arg5[%get3A_249, %get3A_250] : memref<256x256xf32, #tpu.memory_space<vmem>>, vector<256x256xf32>
    %convert_element_type3A_252 = arith.truncf %get3A_251 : vector<256x256xf32> to vector<256x256xbf16>
    %dot_general3A_253 = arith.constant dense<0.000000e+00> : vector<1024x256xf32>
    %dot_general3A_254 = tpu.matmul %convert_element_type3A_248, %convert_element_type3A_252, %dot_general3A_253 {dimension_numbers = #tpu.dot_dimension_numbers<[1], [0], [0], [1], [0, 0, 1, 1], [], []>, transpose_lhs_hint = false} : vector<1024x256xbf16>, vector<256x256xbf16>, vector<1024x256xf32> -> vector<1024x256xf32>
    %get3A_255 = arith.constant 2 : index
    %get3A_256 = arith.constant 0 : index
    %get3A_257 = vector.load %arg29[%get3A_255, %get3A_256] : memref<26x256xf32, #tpu.memory_space<vmem>>, vector<1x256xf32>
    %get3A_258 = vector.shape_cast %get3A_257 : vector<1x256xf32> to vector<256xf32>
    %broadcast_in_dim3A_259 = vector.shape_cast %get3A_258 : vector<256xf32> to vector<1x256xf32>
    %add3A_260 = vector.broadcast %broadcast_in_dim3A_259 : vector<1x256xf32> to vector<1024x256xf32>
    %add3A_261 = arith.addf %dot_general3A_254, %add3A_260 : vector<1024x256xf32>
    %max3A_262 = arith.constant 0.000000e+00 : f32
    %max3A_263 = vector.broadcast %max3A_262 : f32 to vector<1024x256xf32>
    %max3A_264 = arith.maximumf %add3A_261, %max3A_263 : vector<1024x256xf32>
    %convert_element_type3A_265 = arith.truncf %max3A_264 : vector<1024x256xf32> to vector<1024x256xbf16>
    %get3A_266 = arith.constant 0 : index
    %get3A_267 = arith.constant 0 : index
    %get3A_268 = vector.load %arg6[%get3A_266, %get3A_267] : memref<256x256xf32, #tpu.memory_space<vmem>>, vector<256x256xf32>
    %convert_element_type3A_269 = arith.truncf %get3A_268 : vector<256x256xf32> to vector<256x256xbf16>
    %dot_general3A_270 = arith.constant dense<0.000000e+00> : vector<1024x256xf32>
    %dot_general3A_271 = tpu.matmul %convert_element_type3A_265, %convert_element_type3A_269, %dot_general3A_270 {dimension_numbers = #tpu.dot_dimension_numbers<[1], [0], [0], [1], [0, 0, 1, 1], [], []>, transpose_lhs_hint = false} : vector<1024x256xbf16>, vector<256x256xbf16>, vector<1024x256xf32> -> vector<1024x256xf32>
    %get3A_272 = arith.constant 3 : index
    %get3A_273 = arith.constant 0 : index
    %get3A_274 = vector.load %arg29[%get3A_272, %get3A_273] : memref<26x256xf32, #tpu.memory_space<vmem>>, vector<1x256xf32>
    %get3A_275 = vector.shape_cast %get3A_274 : vector<1x256xf32> to vector<256xf32>
    %broadcast_in_dim3A_276 = vector.shape_cast %get3A_275 : vector<256xf32> to vector<1x256xf32>
    %add3A_277 = vector.broadcast %broadcast_in_dim3A_276 : vector<1x256xf32> to vector<1024x256xf32>
    %add3A_278 = arith.addf %dot_general3A_271, %add3A_277 : vector<1024x256xf32>
    %max3A_279 = arith.constant 0.000000e+00 : f32
    %max3A_280 = vector.broadcast %max3A_279 : f32 to vector<1024x256xf32>
    %max3A_281 = arith.maximumf %add3A_278, %max3A_280 : vector<1024x256xf32>
    %convert_element_type3A_282 = arith.truncf %max3A_281 : vector<1024x256xf32> to vector<1024x256xbf16>
    %get3A_283 = arith.constant 0 : index
    %get3A_284 = arith.constant 0 : index
    %get3A_285 = vector.load %arg7[%get3A_283, %get3A_284] : memref<256x256xf32, #tpu.memory_space<vmem>>, vector<256x256xf32>
    %convert_element_type3A_286 = arith.truncf %get3A_285 : vector<256x256xf32> to vector<256x256xbf16>
    %dot_general3A_287 = arith.constant dense<0.000000e+00> : vector<1024x256xf32>
    %dot_general3A_288 = tpu.matmul %convert_element_type3A_282, %convert_element_type3A_286, %dot_general3A_287 {dimension_numbers = #tpu.dot_dimension_numbers<[1], [0], [0], [1], [0, 0, 1, 1], [], []>, transpose_lhs_hint = false} : vector<1024x256xbf16>, vector<256x256xbf16>, vector<1024x256xf32> -> vector<1024x256xf32>
    %get3A_289 = arith.constant 4 : index
    %get3A_290 = arith.constant 0 : index
    %get3A_291 = vector.load %arg29[%get3A_289, %get3A_290] : memref<26x256xf32, #tpu.memory_space<vmem>>, vector<1x256xf32>
    %get3A_292 = vector.shape_cast %get3A_291 : vector<1x256xf32> to vector<256xf32>
    %broadcast_in_dim3A_293 = vector.shape_cast %get3A_292 : vector<256xf32> to vector<1x256xf32>
    %add3A_294 = vector.broadcast %broadcast_in_dim3A_293 : vector<1x256xf32> to vector<1024x256xf32>
    %add3A_295 = arith.addf %dot_general3A_288, %add3A_294 : vector<1024x256xf32>
    %max3A_296 = arith.constant 0.000000e+00 : f32
    %max3A_297 = vector.broadcast %max3A_296 : f32 to vector<1024x256xf32>
    %max3A_298 = arith.maximumf %add3A_295, %max3A_297 : vector<1024x256xf32>
    %convert_element_type3A_299 = arith.truncf %max3A_298 : vector<1024x256xf32> to vector<1024x256xbf16>
    %get3A_300 = arith.constant 0 : index
    %get3A_301 = arith.constant 0 : index
    %get3A_302 = vector.load %arg8[%get3A_300, %get3A_301] : memref<256x256xf32, #tpu.memory_space<vmem>>, vector<256x256xf32>
    %convert_element_type3A_303 = arith.truncf %get3A_302 : vector<256x256xf32> to vector<256x256xbf16>
    %dot_general3A_304 = arith.constant dense<0.000000e+00> : vector<1024x256xf32>
    %dot_general3A_305 = tpu.matmul %convert_element_type3A_299, %convert_element_type3A_303, %dot_general3A_304 {dimension_numbers = #tpu.dot_dimension_numbers<[1], [0], [0], [1], [0, 0, 1, 1], [], []>, transpose_lhs_hint = false} : vector<1024x256xbf16>, vector<256x256xbf16>, vector<1024x256xf32> -> vector<1024x256xf32>
    %get3A_306 = arith.constant 5 : index
    %get3A_307 = arith.constant 0 : index
    %get3A_308 = vector.load %arg29[%get3A_306, %get3A_307] : memref<26x256xf32, #tpu.memory_space<vmem>>, vector<1x256xf32>
    %get3A_309 = vector.shape_cast %get3A_308 : vector<1x256xf32> to vector<256xf32>
    %broadcast_in_dim3A_310 = vector.shape_cast %get3A_309 : vector<256xf32> to vector<1x256xf32>
    %add3A_311 = vector.broadcast %broadcast_in_dim3A_310 : vector<1x256xf32> to vector<1024x256xf32>
    %add3A_312 = arith.addf %dot_general3A_305, %add3A_311 : vector<1024x256xf32>
    %max3A_313 = arith.constant 0.000000e+00 : f32
    %max3A_314 = vector.broadcast %max3A_313 : f32 to vector<1024x256xf32>
    %max3A_315 = arith.maximumf %add3A_312, %max3A_314 : vector<1024x256xf32>
    %convert_element_type3A_316 = arith.truncf %max3A_315 : vector<1024x256xf32> to vector<1024x256xbf16>
    %get3A_317 = arith.constant 0 : index
    %get3A_318 = arith.constant 0 : index
    %get3A_319 = vector.load %arg9[%get3A_317, %get3A_318] : memref<256x256xf32, #tpu.memory_space<vmem>>, vector<256x256xf32>
    %convert_element_type3A_320 = arith.truncf %get3A_319 : vector<256x256xf32> to vector<256x256xbf16>
    %dot_general3A_321 = arith.constant dense<0.000000e+00> : vector<1024x256xf32>
    %dot_general3A_322 = tpu.matmul %convert_element_type3A_316, %convert_element_type3A_320, %dot_general3A_321 {dimension_numbers = #tpu.dot_dimension_numbers<[1], [0], [0], [1], [0, 0, 1, 1], [], []>, transpose_lhs_hint = false} : vector<1024x256xbf16>, vector<256x256xbf16>, vector<1024x256xf32> -> vector<1024x256xf32>
    %get3A_323 = arith.constant 6 : index
    %get3A_324 = arith.constant 0 : index
    %get3A_325 = vector.load %arg29[%get3A_323, %get3A_324] : memref<26x256xf32, #tpu.memory_space<vmem>>, vector<1x256xf32>
    %get3A_326 = vector.shape_cast %get3A_325 : vector<1x256xf32> to vector<256xf32>
    %broadcast_in_dim3A_327 = vector.shape_cast %get3A_326 : vector<256xf32> to vector<1x256xf32>
    %add3A_328 = vector.broadcast %broadcast_in_dim3A_327 : vector<1x256xf32> to vector<1024x256xf32>
    %add3A_329 = arith.addf %dot_general3A_322, %add3A_328 : vector<1024x256xf32>
    %max3A_330 = arith.constant 0.000000e+00 : f32
    %max3A_331 = vector.broadcast %max3A_330 : f32 to vector<1024x256xf32>
    %max3A_332 = arith.maximumf %add3A_329, %max3A_331 : vector<1024x256xf32>
    %convert_element_type3A_333 = arith.truncf %max3A_332 : vector<1024x256xf32> to vector<1024x256xbf16>
    %get3A_334 = arith.constant 0 : index
    %get3A_335 = arith.constant 0 : index
    %get3A_336 = vector.load %arg10[%get3A_334, %get3A_335] : memref<256x256xf32, #tpu.memory_space<vmem>>, vector<256x256xf32>
    %convert_element_type3A_337 = arith.truncf %get3A_336 : vector<256x256xf32> to vector<256x256xbf16>
    %dot_general3A_338 = arith.constant dense<0.000000e+00> : vector<1024x256xf32>
    %dot_general3A_339 = tpu.matmul %convert_element_type3A_333, %convert_element_type3A_337, %dot_general3A_338 {dimension_numbers = #tpu.dot_dimension_numbers<[1], [0], [0], [1], [0, 0, 1, 1], [], []>, transpose_lhs_hint = false} : vector<1024x256xbf16>, vector<256x256xbf16>, vector<1024x256xf32> -> vector<1024x256xf32>
    %get3A_340 = arith.constant 7 : index
    %get3A_341 = arith.constant 0 : index
    %get3A_342 = vector.load %arg29[%get3A_340, %get3A_341] : memref<26x256xf32, #tpu.memory_space<vmem>>, vector<1x256xf32>
    %get3A_343 = vector.shape_cast %get3A_342 : vector<1x256xf32> to vector<256xf32>
    %broadcast_in_dim3A_344 = vector.shape_cast %get3A_343 : vector<256xf32> to vector<1x256xf32>
    %add3A_345 = vector.broadcast %broadcast_in_dim3A_344 : vector<1x256xf32> to vector<1024x256xf32>
    %add3A_346 = arith.addf %dot_general3A_339, %add3A_345 : vector<1024x256xf32>
    %max3A_347 = arith.constant 0.000000e+00 : f32
    %max3A_348 = vector.broadcast %max3A_347 : f32 to vector<1024x256xf32>
    %max3A_349 = arith.maximumf %add3A_346, %max3A_348 : vector<1024x256xf32>
    %convert_element_type3A_350 = arith.truncf %max3A_349 : vector<1024x256xf32> to vector<1024x256xbf16>
    %get3A_351 = arith.constant 0 : index
    %get3A_352 = arith.constant 0 : index
    %get3A_353 = vector.load %arg11[%get3A_351, %get3A_352] : memref<256x256xf32, #tpu.memory_space<vmem>>, vector<256x256xf32>
    %convert_element_type3A_354 = arith.truncf %get3A_353 : vector<256x256xf32> to vector<256x256xbf16>
    %dot_general3A_355 = arith.constant dense<0.000000e+00> : vector<1024x256xf32>
    %dot_general3A_356 = tpu.matmul %convert_element_type3A_350, %convert_element_type3A_354, %dot_general3A_355 {dimension_numbers = #tpu.dot_dimension_numbers<[1], [0], [0], [1], [0, 0, 1, 1], [], []>, transpose_lhs_hint = false} : vector<1024x256xbf16>, vector<256x256xbf16>, vector<1024x256xf32> -> vector<1024x256xf32>
    %get3A_357 = arith.constant 8 : index
    %get3A_358 = arith.constant 0 : index
    %get3A_359 = vector.load %arg29[%get3A_357, %get3A_358] : memref<26x256xf32, #tpu.memory_space<vmem>>, vector<1x256xf32>
    %get3A_360 = vector.shape_cast %get3A_359 : vector<1x256xf32> to vector<256xf32>
    %broadcast_in_dim3A_361 = vector.shape_cast %get3A_360 : vector<256xf32> to vector<1x256xf32>
    %add3A_362 = vector.broadcast %broadcast_in_dim3A_361 : vector<1x256xf32> to vector<1024x256xf32>
    %add3A_363 = arith.addf %dot_general3A_356, %add3A_362 : vector<1024x256xf32>
    %max3A_364 = arith.constant 0.000000e+00 : f32
    %max3A_365 = vector.broadcast %max3A_364 : f32 to vector<1024x256xf32>
    %max3A_366 = arith.maximumf %add3A_363, %max3A_365 : vector<1024x256xf32>
    %convert_element_type3A_367 = arith.truncf %max3A_366 : vector<1024x256xf32> to vector<1024x256xbf16>
    %get3A_368 = arith.constant 0 : index
    %get3A_369 = arith.constant 0 : index
    %get3A_370 = vector.load %arg12[%get3A_368, %get3A_369] : memref<256x256xf32, #tpu.memory_space<vmem>>, vector<256x256xf32>
    %convert_element_type3A_371 = arith.truncf %get3A_370 : vector<256x256xf32> to vector<256x256xbf16>
    %dot_general3A_372 = arith.constant dense<0.000000e+00> : vector<1024x256xf32>
    %dot_general3A_373 = tpu.matmul %convert_element_type3A_367, %convert_element_type3A_371, %dot_general3A_372 {dimension_numbers = #tpu.dot_dimension_numbers<[1], [0], [0], [1], [0, 0, 1, 1], [], []>, transpose_lhs_hint = false} : vector<1024x256xbf16>, vector<256x256xbf16>, vector<1024x256xf32> -> vector<1024x256xf32>
    %get3A_374 = arith.constant 9 : index
    %get3A_375 = arith.constant 0 : index
    %get3A_376 = vector.load %arg29[%get3A_374, %get3A_375] : memref<26x256xf32, #tpu.memory_space<vmem>>, vector<1x256xf32>
    %get3A_377 = vector.shape_cast %get3A_376 : vector<1x256xf32> to vector<256xf32>
    %broadcast_in_dim3A_378 = vector.shape_cast %get3A_377 : vector<256xf32> to vector<1x256xf32>
    %add3A_379 = vector.broadcast %broadcast_in_dim3A_378 : vector<1x256xf32> to vector<1024x256xf32>
    %add3A_380 = arith.addf %dot_general3A_373, %add3A_379 : vector<1024x256xf32>
    %max3A_381 = arith.constant 0.000000e+00 : f32
    %max3A_382 = vector.broadcast %max3A_381 : f32 to vector<1024x256xf32>
    %max3A_383 = arith.maximumf %add3A_380, %max3A_382 : vector<1024x256xf32>
    %convert_element_type3A_384 = arith.truncf %max3A_383 : vector<1024x256xf32> to vector<1024x256xbf16>
    %get3A_385 = arith.constant 0 : index
    %get3A_386 = arith.constant 0 : index
    %get3A_387 = vector.load %arg13[%get3A_385, %get3A_386] : memref<256x256xf32, #tpu.memory_space<vmem>>, vector<256x256xf32>
    %convert_element_type3A_388 = arith.truncf %get3A_387 : vector<256x256xf32> to vector<256x256xbf16>
    %dot_general3A_389 = arith.constant dense<0.000000e+00> : vector<1024x256xf32>
    %dot_general3A_390 = tpu.matmul %convert_element_type3A_384, %convert_element_type3A_388, %dot_general3A_389 {dimension_numbers = #tpu.dot_dimension_numbers<[1], [0], [0], [1], [0, 0, 1, 1], [], []>, transpose_lhs_hint = false} : vector<1024x256xbf16>, vector<256x256xbf16>, vector<1024x256xf32> -> vector<1024x256xf32>
    %get3A_391 = arith.constant 10 : index
    %get3A_392 = arith.constant 0 : index
    %get3A_393 = vector.load %arg29[%get3A_391, %get3A_392] : memref<26x256xf32, #tpu.memory_space<vmem>>, vector<1x256xf32>
    %get3A_394 = vector.shape_cast %get3A_393 : vector<1x256xf32> to vector<256xf32>
    %broadcast_in_dim3A_395 = vector.shape_cast %get3A_394 : vector<256xf32> to vector<1x256xf32>
    %add3A_396 = vector.broadcast %broadcast_in_dim3A_395 : vector<1x256xf32> to vector<1024x256xf32>
    %add3A_397 = arith.addf %dot_general3A_390, %add3A_396 : vector<1024x256xf32>
    %max3A_398 = arith.constant 0.000000e+00 : f32
    %max3A_399 = vector.broadcast %max3A_398 : f32 to vector<1024x256xf32>
    %max3A_400 = arith.maximumf %add3A_397, %max3A_399 : vector<1024x256xf32>
    %convert_element_type3A_401 = arith.truncf %max3A_400 : vector<1024x256xf32> to vector<1024x256xbf16>
    %get3A_402 = arith.constant 0 : index
    %get3A_403 = arith.constant 0 : index
    %get3A_404 = vector.load %arg14[%get3A_402, %get3A_403] : memref<256x256xf32, #tpu.memory_space<vmem>>, vector<256x256xf32>
    %convert_element_type3A_405 = arith.truncf %get3A_404 : vector<256x256xf32> to vector<256x256xbf16>
    %dot_general3A_406 = arith.constant dense<0.000000e+00> : vector<1024x256xf32>
    %dot_general3A_407 = tpu.matmul %convert_element_type3A_401, %convert_element_type3A_405, %dot_general3A_406 {dimension_numbers = #tpu.dot_dimension_numbers<[1], [0], [0], [1], [0, 0, 1, 1], [], []>, transpose_lhs_hint = false} : vector<1024x256xbf16>, vector<256x256xbf16>, vector<1024x256xf32> -> vector<1024x256xf32>
    %get3A_408 = arith.constant 11 : index
    %get3A_409 = arith.constant 0 : index
    %get3A_410 = vector.load %arg29[%get3A_408, %get3A_409] : memref<26x256xf32, #tpu.memory_space<vmem>>, vector<1x256xf32>
    %get3A_411 = vector.shape_cast %get3A_410 : vector<1x256xf32> to vector<256xf32>
    %broadcast_in_dim3A_412 = vector.shape_cast %get3A_411 : vector<256xf32> to vector<1x256xf32>
    %add3A_413 = vector.broadcast %broadcast_in_dim3A_412 : vector<1x256xf32> to vector<1024x256xf32>
    %add3A_414 = arith.addf %dot_general3A_407, %add3A_413 : vector<1024x256xf32>
    %max3A_415 = arith.constant 0.000000e+00 : f32
    %max3A_416 = vector.broadcast %max3A_415 : f32 to vector<1024x256xf32>
    %max3A_417 = arith.maximumf %add3A_414, %max3A_416 : vector<1024x256xf32>
    %convert_element_type3A_418 = arith.truncf %max3A_417 : vector<1024x256xf32> to vector<1024x256xbf16>
    %get3A_419 = arith.constant 0 : index
    %get3A_420 = arith.constant 0 : index
    %get3A_421 = vector.load %arg15[%get3A_419, %get3A_420] : memref<256x256xf32, #tpu.memory_space<vmem>>, vector<256x256xf32>
    %convert_element_type3A_422 = arith.truncf %get3A_421 : vector<256x256xf32> to vector<256x256xbf16>
    %dot_general3A_423 = arith.constant dense<0.000000e+00> : vector<1024x256xf32>
    %dot_general3A_424 = tpu.matmul %convert_element_type3A_418, %convert_element_type3A_422, %dot_general3A_423 {dimension_numbers = #tpu.dot_dimension_numbers<[1], [0], [0], [1], [0, 0, 1, 1], [], []>, transpose_lhs_hint = false} : vector<1024x256xbf16>, vector<256x256xbf16>, vector<1024x256xf32> -> vector<1024x256xf32>
    %get3A_425 = arith.constant 12 : index
    %get3A_426 = arith.constant 0 : index
    %get3A_427 = vector.load %arg29[%get3A_425, %get3A_426] : memref<26x256xf32, #tpu.memory_space<vmem>>, vector<1x256xf32>
    %get3A_428 = vector.shape_cast %get3A_427 : vector<1x256xf32> to vector<256xf32>
    %broadcast_in_dim3A_429 = vector.shape_cast %get3A_428 : vector<256xf32> to vector<1x256xf32>
    %add3A_430 = vector.broadcast %broadcast_in_dim3A_429 : vector<1x256xf32> to vector<1024x256xf32>
    %add3A_431 = arith.addf %dot_general3A_424, %add3A_430 : vector<1024x256xf32>
    %max3A_432 = arith.constant 0.000000e+00 : f32
    %max3A_433 = vector.broadcast %max3A_432 : f32 to vector<1024x256xf32>
    %max3A_434 = arith.maximumf %add3A_431, %max3A_433 : vector<1024x256xf32>
    %convert_element_type3A_435 = arith.truncf %max3A_434 : vector<1024x256xf32> to vector<1024x256xbf16>
    %get3A_436 = arith.constant 0 : index
    %get3A_437 = arith.constant 0 : index
    %get3A_438 = vector.load %arg16[%get3A_436, %get3A_437] : memref<256x256xf32, #tpu.memory_space<vmem>>, vector<256x256xf32>
    %convert_element_type3A_439 = arith.truncf %get3A_438 : vector<256x256xf32> to vector<256x256xbf16>
    %dot_general3A_440 = arith.constant dense<0.000000e+00> : vector<1024x256xf32>
    %dot_general3A_441 = tpu.matmul %convert_element_type3A_435, %convert_element_type3A_439, %dot_general3A_440 {dimension_numbers = #tpu.dot_dimension_numbers<[1], [0], [0], [1], [0, 0, 1, 1], [], []>, transpose_lhs_hint = false} : vector<1024x256xbf16>, vector<256x256xbf16>, vector<1024x256xf32> -> vector<1024x256xf32>
    %get3A_442 = arith.constant 13 : index
    %get3A_443 = arith.constant 0 : index
    %get3A_444 = vector.load %arg29[%get3A_442, %get3A_443] : memref<26x256xf32, #tpu.memory_space<vmem>>, vector<1x256xf32>
    %get3A_445 = vector.shape_cast %get3A_444 : vector<1x256xf32> to vector<256xf32>
    %broadcast_in_dim3A_446 = vector.shape_cast %get3A_445 : vector<256xf32> to vector<1x256xf32>
    %add3A_447 = vector.broadcast %broadcast_in_dim3A_446 : vector<1x256xf32> to vector<1024x256xf32>
    %add3A_448 = arith.addf %dot_general3A_441, %add3A_447 : vector<1024x256xf32>
    %max3A_449 = arith.constant 0.000000e+00 : f32
    %max3A_450 = vector.broadcast %max3A_449 : f32 to vector<1024x256xf32>
    %max3A_451 = arith.maximumf %add3A_448, %max3A_450 : vector<1024x256xf32>
    %convert_element_type3A_452 = arith.truncf %max3A_451 : vector<1024x256xf32> to vector<1024x256xbf16>
    %get3A_453 = arith.constant 0 : index
    %get3A_454 = arith.constant 0 : index
    %get3A_455 = vector.load %arg17[%get3A_453, %get3A_454] : memref<256x256xf32, #tpu.memory_space<vmem>>, vector<256x256xf32>
    %convert_element_type3A_456 = arith.truncf %get3A_455 : vector<256x256xf32> to vector<256x256xbf16>
    %dot_general3A_457 = arith.constant dense<0.000000e+00> : vector<1024x256xf32>
    %dot_general3A_458 = tpu.matmul %convert_element_type3A_452, %convert_element_type3A_456, %dot_general3A_457 {dimension_numbers = #tpu.dot_dimension_numbers<[1], [0], [0], [1], [0, 0, 1, 1], [], []>, transpose_lhs_hint = false} : vector<1024x256xbf16>, vector<256x256xbf16>, vector<1024x256xf32> -> vector<1024x256xf32>
    %get3A_459 = arith.constant 14 : index
    %get3A_460 = arith.constant 0 : index
    %get3A_461 = vector.load %arg29[%get3A_459, %get3A_460] : memref<26x256xf32, #tpu.memory_space<vmem>>, vector<1x256xf32>
    %get3A_462 = vector.shape_cast %get3A_461 : vector<1x256xf32> to vector<256xf32>
    %broadcast_in_dim3A_463 = vector.shape_cast %get3A_462 : vector<256xf32> to vector<1x256xf32>
    %add3A_464 = vector.broadcast %broadcast_in_dim3A_463 : vector<1x256xf32> to vector<1024x256xf32>
    %add3A_465 = arith.addf %dot_general3A_458, %add3A_464 : vector<1024x256xf32>
    %max3A_466 = arith.constant 0.000000e+00 : f32
    %max3A_467 = vector.broadcast %max3A_466 : f32 to vector<1024x256xf32>
    %max3A_468 = arith.maximumf %add3A_465, %max3A_467 : vector<1024x256xf32>
    %convert_element_type3A_469 = arith.truncf %max3A_468 : vector<1024x256xf32> to vector<1024x256xbf16>
    %get3A_470 = arith.constant 0 : index
    %get3A_471 = arith.constant 0 : index
    %get3A_472 = vector.load %arg18[%get3A_470, %get3A_471] : memref<256x256xf32, #tpu.memory_space<vmem>>, vector<256x256xf32>
    %convert_element_type3A_473 = arith.truncf %get3A_472 : vector<256x256xf32> to vector<256x256xbf16>
    %dot_general3A_474 = arith.constant dense<0.000000e+00> : vector<1024x256xf32>
    %dot_general3A_475 = tpu.matmul %convert_element_type3A_469, %convert_element_type3A_473, %dot_general3A_474 {dimension_numbers = #tpu.dot_dimension_numbers<[1], [0], [0], [1], [0, 0, 1, 1], [], []>, transpose_lhs_hint = false} : vector<1024x256xbf16>, vector<256x256xbf16>, vector<1024x256xf32> -> vector<1024x256xf32>
    %get3A_476 = arith.constant 15 : index
    %get3A_477 = arith.constant 0 : index
    %get3A_478 = vector.load %arg29[%get3A_476, %get3A_477] : memref<26x256xf32, #tpu.memory_space<vmem>>, vector<1x256xf32>
    %get3A_479 = vector.shape_cast %get3A_478 : vector<1x256xf32> to vector<256xf32>
    %broadcast_in_dim3A_480 = vector.shape_cast %get3A_479 : vector<256xf32> to vector<1x256xf32>
    %add3A_481 = vector.broadcast %broadcast_in_dim3A_480 : vector<1x256xf32> to vector<1024x256xf32>
    %add3A_482 = arith.addf %dot_general3A_475, %add3A_481 : vector<1024x256xf32>
    %max3A_483 = arith.constant 0.000000e+00 : f32
    %max3A_484 = vector.broadcast %max3A_483 : f32 to vector<1024x256xf32>
    %max3A_485 = arith.maximumf %add3A_482, %max3A_484 : vector<1024x256xf32>
    %convert_element_type3A_486 = arith.truncf %max3A_485 : vector<1024x256xf32> to vector<1024x256xbf16>
    %get3A_487 = arith.constant 0 : index
    %get3A_488 = arith.constant 0 : index
    %get3A_489 = vector.load %arg19[%get3A_487, %get3A_488] : memref<256x256xf32, #tpu.memory_space<vmem>>, vector<256x256xf32>
    %convert_element_type3A_490 = arith.truncf %get3A_489 : vector<256x256xf32> to vector<256x256xbf16>
    %dot_general3A_491 = arith.constant dense<0.000000e+00> : vector<1024x256xf32>
    %dot_general3A_492 = tpu.matmul %convert_element_type3A_486, %convert_element_type3A_490, %dot_general3A_491 {dimension_numbers = #tpu.dot_dimension_numbers<[1], [0], [0], [1], [0, 0, 1, 1], [], []>, transpose_lhs_hint = false} : vector<1024x256xbf16>, vector<256x256xbf16>, vector<1024x256xf32> -> vector<1024x256xf32>
    %get3A_493 = arith.constant 16 : index
    %get3A_494 = arith.constant 0 : index
    %get3A_495 = vector.load %arg29[%get3A_493, %get3A_494] : memref<26x256xf32, #tpu.memory_space<vmem>>, vector<1x256xf32>
    %get3A_496 = vector.shape_cast %get3A_495 : vector<1x256xf32> to vector<256xf32>
    %broadcast_in_dim3A_497 = vector.shape_cast %get3A_496 : vector<256xf32> to vector<1x256xf32>
    %add3A_498 = vector.broadcast %broadcast_in_dim3A_497 : vector<1x256xf32> to vector<1024x256xf32>
    %add3A_499 = arith.addf %dot_general3A_492, %add3A_498 : vector<1024x256xf32>
    %max3A_500 = arith.constant 0.000000e+00 : f32
    %max3A_501 = vector.broadcast %max3A_500 : f32 to vector<1024x256xf32>
    %max3A_502 = arith.maximumf %add3A_499, %max3A_501 : vector<1024x256xf32>
    %convert_element_type3A_503 = arith.truncf %max3A_502 : vector<1024x256xf32> to vector<1024x256xbf16>
    %get3A_504 = arith.constant 0 : index
    %get3A_505 = arith.constant 0 : index
    %get3A_506 = vector.load %arg20[%get3A_504, %get3A_505] : memref<256x256xf32, #tpu.memory_space<vmem>>, vector<256x256xf32>
    %convert_element_type3A_507 = arith.truncf %get3A_506 : vector<256x256xf32> to vector<256x256xbf16>
    %dot_general3A_508 = arith.constant dense<0.000000e+00> : vector<1024x256xf32>
    %dot_general3A_509 = tpu.matmul %convert_element_type3A_503, %convert_element_type3A_507, %dot_general3A_508 {dimension_numbers = #tpu.dot_dimension_numbers<[1], [0], [0], [1], [0, 0, 1, 1], [], []>, transpose_lhs_hint = false} : vector<1024x256xbf16>, vector<256x256xbf16>, vector<1024x256xf32> -> vector<1024x256xf32>
    %get3A_510 = arith.constant 17 : index
    %get3A_511 = arith.constant 0 : index
    %get3A_512 = vector.load %arg29[%get3A_510, %get3A_511] : memref<26x256xf32, #tpu.memory_space<vmem>>, vector<1x256xf32>
    %get3A_513 = vector.shape_cast %get3A_512 : vector<1x256xf32> to vector<256xf32>
    %broadcast_in_dim3A_514 = vector.shape_cast %get3A_513 : vector<256xf32> to vector<1x256xf32>
    %add3A_515 = vector.broadcast %broadcast_in_dim3A_514 : vector<1x256xf32> to vector<1024x256xf32>
    %add3A_516 = arith.addf %dot_general3A_509, %add3A_515 : vector<1024x256xf32>
    %max3A_517 = arith.constant 0.000000e+00 : f32
    %max3A_518 = vector.broadcast %max3A_517 : f32 to vector<1024x256xf32>
    %max3A_519 = arith.maximumf %add3A_516, %max3A_518 : vector<1024x256xf32>
    %convert_element_type3A_520 = arith.truncf %max3A_519 : vector<1024x256xf32> to vector<1024x256xbf16>
    %get3A_521 = arith.constant 0 : index
    %get3A_522 = arith.constant 0 : index
    %get3A_523 = vector.load %arg21[%get3A_521, %get3A_522] : memref<256x256xf32, #tpu.memory_space<vmem>>, vector<256x256xf32>
    %convert_element_type3A_524 = arith.truncf %get3A_523 : vector<256x256xf32> to vector<256x256xbf16>
    %dot_general3A_525 = arith.constant dense<0.000000e+00> : vector<1024x256xf32>
    %dot_general3A_526 = tpu.matmul %convert_element_type3A_520, %convert_element_type3A_524, %dot_general3A_525 {dimension_numbers = #tpu.dot_dimension_numbers<[1], [0], [0], [1], [0, 0, 1, 1], [], []>, transpose_lhs_hint = false} : vector<1024x256xbf16>, vector<256x256xbf16>, vector<1024x256xf32> -> vector<1024x256xf32>
    %get3A_527 = arith.constant 18 : index
    %get3A_528 = arith.constant 0 : index
    %get3A_529 = vector.load %arg29[%get3A_527, %get3A_528] : memref<26x256xf32, #tpu.memory_space<vmem>>, vector<1x256xf32>
    %get3A_530 = vector.shape_cast %get3A_529 : vector<1x256xf32> to vector<256xf32>
    %broadcast_in_dim3A_531 = vector.shape_cast %get3A_530 : vector<256xf32> to vector<1x256xf32>
    %add3A_532 = vector.broadcast %broadcast_in_dim3A_531 : vector<1x256xf32> to vector<1024x256xf32>
    %add3A_533 = arith.addf %dot_general3A_526, %add3A_532 : vector<1024x256xf32>
    %max3A_534 = arith.constant 0.000000e+00 : f32
    %max3A_535 = vector.broadcast %max3A_534 : f32 to vector<1024x256xf32>
    %max3A_536 = arith.maximumf %add3A_533, %max3A_535 : vector<1024x256xf32>
    %convert_element_type3A_537 = arith.truncf %max3A_536 : vector<1024x256xf32> to vector<1024x256xbf16>
    %get3A_538 = arith.constant 0 : index
    %get3A_539 = arith.constant 0 : index
    %get3A_540 = vector.load %arg22[%get3A_538, %get3A_539] : memref<256x256xf32, #tpu.memory_space<vmem>>, vector<256x256xf32>
    %convert_element_type3A_541 = arith.truncf %get3A_540 : vector<256x256xf32> to vector<256x256xbf16>
    %dot_general3A_542 = arith.constant dense<0.000000e+00> : vector<1024x256xf32>
    %dot_general3A_543 = tpu.matmul %convert_element_type3A_537, %convert_element_type3A_541, %dot_general3A_542 {dimension_numbers = #tpu.dot_dimension_numbers<[1], [0], [0], [1], [0, 0, 1, 1], [], []>, transpose_lhs_hint = false} : vector<1024x256xbf16>, vector<256x256xbf16>, vector<1024x256xf32> -> vector<1024x256xf32>
    %get3A_544 = arith.constant 19 : index
    %get3A_545 = arith.constant 0 : index
    %get3A_546 = vector.load %arg29[%get3A_544, %get3A_545] : memref<26x256xf32, #tpu.memory_space<vmem>>, vector<1x256xf32>
    %get3A_547 = vector.shape_cast %get3A_546 : vector<1x256xf32> to vector<256xf32>
    %broadcast_in_dim3A_548 = vector.shape_cast %get3A_547 : vector<256xf32> to vector<1x256xf32>
    %add3A_549 = vector.broadcast %broadcast_in_dim3A_548 : vector<1x256xf32> to vector<1024x256xf32>
    %add3A_550 = arith.addf %dot_general3A_543, %add3A_549 : vector<1024x256xf32>
    %max3A_551 = arith.constant 0.000000e+00 : f32
    %max3A_552 = vector.broadcast %max3A_551 : f32 to vector<1024x256xf32>
    %max3A_553 = arith.maximumf %add3A_550, %max3A_552 : vector<1024x256xf32>
    %convert_element_type3A_554 = arith.truncf %max3A_553 : vector<1024x256xf32> to vector<1024x256xbf16>
    %get3A_555 = arith.constant 0 : index
    %get3A_556 = arith.constant 0 : index
    %get3A_557 = vector.load %arg23[%get3A_555, %get3A_556] : memref<256x256xf32, #tpu.memory_space<vmem>>, vector<256x256xf32>
    %convert_element_type3A_558 = arith.truncf %get3A_557 : vector<256x256xf32> to vector<256x256xbf16>
    %dot_general3A_559 = arith.constant dense<0.000000e+00> : vector<1024x256xf32>
    %dot_general3A_560 = tpu.matmul %convert_element_type3A_554, %convert_element_type3A_558, %dot_general3A_559 {dimension_numbers = #tpu.dot_dimension_numbers<[1], [0], [0], [1], [0, 0, 1, 1], [], []>, transpose_lhs_hint = false} : vector<1024x256xbf16>, vector<256x256xbf16>, vector<1024x256xf32> -> vector<1024x256xf32>
    %get3A_561 = arith.constant 20 : index
    %get3A_562 = arith.constant 0 : index
    %get3A_563 = vector.load %arg29[%get3A_561, %get3A_562] : memref<26x256xf32, #tpu.memory_space<vmem>>, vector<1x256xf32>
    %get3A_564 = vector.shape_cast %get3A_563 : vector<1x256xf32> to vector<256xf32>
    %broadcast_in_dim3A_565 = vector.shape_cast %get3A_564 : vector<256xf32> to vector<1x256xf32>
    %add3A_566 = vector.broadcast %broadcast_in_dim3A_565 : vector<1x256xf32> to vector<1024x256xf32>
    %add3A_567 = arith.addf %dot_general3A_560, %add3A_566 : vector<1024x256xf32>
    %max3A_568 = arith.constant 0.000000e+00 : f32
    %max3A_569 = vector.broadcast %max3A_568 : f32 to vector<1024x256xf32>
    %max3A_570 = arith.maximumf %add3A_567, %max3A_569 : vector<1024x256xf32>
    %convert_element_type3A_571 = arith.truncf %max3A_570 : vector<1024x256xf32> to vector<1024x256xbf16>
    %get3A_572 = arith.constant 0 : index
    %get3A_573 = arith.constant 0 : index
    %get3A_574 = vector.load %arg24[%get3A_572, %get3A_573] : memref<256x256xf32, #tpu.memory_space<vmem>>, vector<256x256xf32>
    %convert_element_type3A_575 = arith.truncf %get3A_574 : vector<256x256xf32> to vector<256x256xbf16>
    %dot_general3A_576 = arith.constant dense<0.000000e+00> : vector<1024x256xf32>
    %dot_general3A_577 = tpu.matmul %convert_element_type3A_571, %convert_element_type3A_575, %dot_general3A_576 {dimension_numbers = #tpu.dot_dimension_numbers<[1], [0], [0], [1], [0, 0, 1, 1], [], []>, transpose_lhs_hint = false} : vector<1024x256xbf16>, vector<256x256xbf16>, vector<1024x256xf32> -> vector<1024x256xf32>
    %get3A_578 = arith.constant 21 : index
    %get3A_579 = arith.constant 0 : index
    %get3A_580 = vector.load %arg29[%get3A_578, %get3A_579] : memref<26x256xf32, #tpu.memory_space<vmem>>, vector<1x256xf32>
    %get3A_581 = vector.shape_cast %get3A_580 : vector<1x256xf32> to vector<256xf32>
    %broadcast_in_dim3A_582 = vector.shape_cast %get3A_581 : vector<256xf32> to vector<1x256xf32>
    %add3A_583 = vector.broadcast %broadcast_in_dim3A_582 : vector<1x256xf32> to vector<1024x256xf32>
    %add3A_584 = arith.addf %dot_general3A_577, %add3A_583 : vector<1024x256xf32>
    %max3A_585 = arith.constant 0.000000e+00 : f32
    %max3A_586 = vector.broadcast %max3A_585 : f32 to vector<1024x256xf32>
    %max3A_587 = arith.maximumf %add3A_584, %max3A_586 : vector<1024x256xf32>
    %convert_element_type3A_588 = arith.truncf %max3A_587 : vector<1024x256xf32> to vector<1024x256xbf16>
    %get3A_589 = arith.constant 0 : index
    %get3A_590 = arith.constant 0 : index
    %get3A_591 = vector.load %arg25[%get3A_589, %get3A_590] : memref<256x256xf32, #tpu.memory_space<vmem>>, vector<256x256xf32>
    %convert_element_type3A_592 = arith.truncf %get3A_591 : vector<256x256xf32> to vector<256x256xbf16>
    %dot_general3A_593 = arith.constant dense<0.000000e+00> : vector<1024x256xf32>
    %dot_general3A_594 = tpu.matmul %convert_element_type3A_588, %convert_element_type3A_592, %dot_general3A_593 {dimension_numbers = #tpu.dot_dimension_numbers<[1], [0], [0], [1], [0, 0, 1, 1], [], []>, transpose_lhs_hint = false} : vector<1024x256xbf16>, vector<256x256xbf16>, vector<1024x256xf32> -> vector<1024x256xf32>
    %get3A_595 = arith.constant 22 : index
    %get3A_596 = arith.constant 0 : index
    %get3A_597 = vector.load %arg29[%get3A_595, %get3A_596] : memref<26x256xf32, #tpu.memory_space<vmem>>, vector<1x256xf32>
    %get3A_598 = vector.shape_cast %get3A_597 : vector<1x256xf32> to vector<256xf32>
    %broadcast_in_dim3A_599 = vector.shape_cast %get3A_598 : vector<256xf32> to vector<1x256xf32>
    %add3A_600 = vector.broadcast %broadcast_in_dim3A_599 : vector<1x256xf32> to vector<1024x256xf32>
    %add3A_601 = arith.addf %dot_general3A_594, %add3A_600 : vector<1024x256xf32>
    %max3A_602 = arith.constant 0.000000e+00 : f32
    %max3A_603 = vector.broadcast %max3A_602 : f32 to vector<1024x256xf32>
    %max3A_604 = arith.maximumf %add3A_601, %max3A_603 : vector<1024x256xf32>
    %convert_element_type3A_605 = arith.truncf %max3A_604 : vector<1024x256xf32> to vector<1024x256xbf16>
    %get3A_606 = arith.constant 0 : index
    %get3A_607 = arith.constant 0 : index
    %get3A_608 = vector.load %arg26[%get3A_606, %get3A_607] : memref<256x256xf32, #tpu.memory_space<vmem>>, vector<256x256xf32>
    %convert_element_type3A_609 = arith.truncf %get3A_608 : vector<256x256xf32> to vector<256x256xbf16>
    %dot_general3A_610 = arith.constant dense<0.000000e+00> : vector<1024x256xf32>
    %dot_general3A_611 = tpu.matmul %convert_element_type3A_605, %convert_element_type3A_609, %dot_general3A_610 {dimension_numbers = #tpu.dot_dimension_numbers<[1], [0], [0], [1], [0, 0, 1, 1], [], []>, transpose_lhs_hint = false} : vector<1024x256xbf16>, vector<256x256xbf16>, vector<1024x256xf32> -> vector<1024x256xf32>
    %get3A_612 = arith.constant 23 : index
    %get3A_613 = arith.constant 0 : index
    %get3A_614 = vector.load %arg29[%get3A_612, %get3A_613] : memref<26x256xf32, #tpu.memory_space<vmem>>, vector<1x256xf32>
    %get3A_615 = vector.shape_cast %get3A_614 : vector<1x256xf32> to vector<256xf32>
    %broadcast_in_dim3A_616 = vector.shape_cast %get3A_615 : vector<256xf32> to vector<1x256xf32>
    %add3A_617 = vector.broadcast %broadcast_in_dim3A_616 : vector<1x256xf32> to vector<1024x256xf32>
    %add3A_618 = arith.addf %dot_general3A_611, %add3A_617 : vector<1024x256xf32>
    %max3A_619 = arith.constant 0.000000e+00 : f32
    %max3A_620 = vector.broadcast %max3A_619 : f32 to vector<1024x256xf32>
    %max3A_621 = arith.maximumf %add3A_618, %max3A_620 : vector<1024x256xf32>
    %convert_element_type3A_622 = arith.truncf %max3A_621 : vector<1024x256xf32> to vector<1024x256xbf16>
    %get3A_623 = arith.constant 0 : index
    %get3A_624 = arith.constant 0 : index
    %get3A_625 = vector.load %arg27[%get3A_623, %get3A_624] : memref<256x256xf32, #tpu.memory_space<vmem>>, vector<256x256xf32>
    %convert_element_type3A_626 = arith.truncf %get3A_625 : vector<256x256xf32> to vector<256x256xbf16>
    %dot_general3A_627 = arith.constant dense<0.000000e+00> : vector<1024x256xf32>
    %dot_general3A_628 = tpu.matmul %convert_element_type3A_622, %convert_element_type3A_626, %dot_general3A_627 {dimension_numbers = #tpu.dot_dimension_numbers<[1], [0], [0], [1], [0, 0, 1, 1], [], []>, transpose_lhs_hint = false} : vector<1024x256xbf16>, vector<256x256xbf16>, vector<1024x256xf32> -> vector<1024x256xf32>
    %get3A_629 = arith.constant 24 : index
    %get3A_630 = arith.constant 0 : index
    %get3A_631 = vector.load %arg29[%get3A_629, %get3A_630] : memref<26x256xf32, #tpu.memory_space<vmem>>, vector<1x256xf32>
    %get3A_632 = vector.shape_cast %get3A_631 : vector<1x256xf32> to vector<256xf32>
    %broadcast_in_dim3A_633 = vector.shape_cast %get3A_632 : vector<256xf32> to vector<1x256xf32>
    %add3A_634 = vector.broadcast %broadcast_in_dim3A_633 : vector<1x256xf32> to vector<1024x256xf32>
    %add3A_635 = arith.addf %dot_general3A_628, %add3A_634 : vector<1024x256xf32>
    %max3A_636 = arith.constant 0.000000e+00 : f32
    %max3A_637 = vector.broadcast %max3A_636 : f32 to vector<1024x256xf32>
    %max3A_638 = arith.maximumf %add3A_635, %max3A_637 : vector<1024x256xf32>
    %convert_element_type3A_639 = arith.truncf %max3A_638 : vector<1024x256xf32> to vector<1024x256xbf16>
    %get3A_640 = arith.constant 0 : index
    %get3A_641 = arith.constant 0 : index
    %get3A_642 = vector.load %arg28[%get3A_640, %get3A_641] : memref<256x256xf32, #tpu.memory_space<vmem>>, vector<256x256xf32>
    %convert_element_type3A_643 = arith.truncf %get3A_642 : vector<256x256xf32> to vector<256x256xbf16>
    %dot_general3A_644 = arith.constant dense<0.000000e+00> : vector<1024x256xf32>
    %dot_general3A_645 = tpu.matmul %convert_element_type3A_639, %convert_element_type3A_643, %dot_general3A_644 {dimension_numbers = #tpu.dot_dimension_numbers<[1], [0], [0], [1], [0, 0, 1, 1], [], []>, transpose_lhs_hint = false} : vector<1024x256xbf16>, vector<256x256xbf16>, vector<1024x256xf32> -> vector<1024x256xf32>
    %get3A_646 = arith.constant 25 : index
    %get3A_647 = arith.constant 0 : index
    %get3A_648 = vector.load %arg29[%get3A_646, %get3A_647] : memref<26x256xf32, #tpu.memory_space<vmem>>, vector<1x256xf32>
    %get3A_649 = vector.shape_cast %get3A_648 : vector<1x256xf32> to vector<256xf32>
    %broadcast_in_dim3A_650 = vector.shape_cast %get3A_649 : vector<256xf32> to vector<1x256xf32>
    %add3A_651 = vector.broadcast %broadcast_in_dim3A_650 : vector<1x256xf32> to vector<1024x256xf32>
    %add3A_652 = arith.addf %dot_general3A_645, %add3A_651 : vector<1024x256xf32>
    %max3A_653 = arith.constant 0.000000e+00 : f32
    %max3A_654 = vector.broadcast %max3A_653 : f32 to vector<1024x256xf32>
    %max3A_655 = arith.maximumf %add3A_652, %max3A_654 : vector<1024x256xf32>
    %convert_element_type3A_656 = arith.truncf %max3A_655 : vector<1024x256xf32> to vector<1024x256xbf16>
    %convert_element_type3A_657 = arith.extf %convert_element_type3A_656 : vector<1024x256xbf16> to vector<1024x256xf32>
    %mul3A_658 = vector.broadcast %get3A_89 : f32 to vector<1024x1xf32>
    %mul3A_659 = arith.mulf %add3A_94, %mul3A_658 : vector<1024x1xf32>
    %get3A_660 = arith.constant 0 : index
    %get3A_661 = arith.constant 0 : index
    %get3A_662 = vector.load %arg30[%get3A_660, %get3A_661] : memref<256x1xf32, #tpu.memory_space<vmem>>, vector<256x1xf32>
    %dot_general3A_663 = arith.constant dense<0.000000e+00> : vector<1024x1xf32>
    %dot_general3A_664 = tpu.matmul %convert_element_type3A_657, %get3A_662, %dot_general3A_663 {dimension_numbers = #tpu.dot_dimension_numbers<[1], [0], [0], [1], [0, 0, 1, 1], [], []>, transpose_lhs_hint = false} : vector<1024x256xf32>, vector<256x1xf32>, vector<1024x1xf32> -> vector<1024x1xf32>
    %add3A_665 = arith.addf %mul3A_659, %dot_general3A_664 : vector<1024x1xf32>
    %add3A_666 = vector.broadcast %get3A_91 : f32 to vector<1024x1xf32>
    %add3A_667 = arith.addf %add3A_665, %add3A_666 : vector<1024x1xf32>
    %swap3A = arith.constant 0 : index
    %swap3A_668 = arith.constant 0 : index
    %swap3A_669 = vector.load %arg32[%swap3A, %swap3A_668] : memref<1024x1xf32, #tpu.memory_space<vmem>>, vector<1024x1xf32>
    tpu.vector_store %arg32[%swap3A, %swap3A_668], %add3A_667 {strides = array<i32>} : memref<1024x1xf32, #tpu.memory_space<vmem>>, vector<1024x1xf32>,
    return
  }
  func.func @transform_0(%arg0: i32) -> (i32, i32, i32) {
    %c0_i32 = arith.constant 0 : i32
    %c0_i32_0 = arith.constant 0 : i32
    %c0_i32_1 = arith.constant 0 : i32
    return %c0_i32, %arg0, %c0_i32_0 : i32, i32, i32
  }
  func.func @transform_1(%arg0: i32) -> (i32, i32) {
    %c0_i32 = arith.constant 0 : i32
    %c0_i32_0 = arith.constant 0 : i32
    return %arg0, %c0_i32 : i32, i32
  }
  func.func @transform_2(%arg0: i32) -> (i32, i32) {
    %c0_i32 = arith.constant 0 : i32
    %c0_i32_0 = arith.constant 0 : i32
    %c0_i32_1 = arith.constant 0 : i32
    return %c0_i32, %c0_i32_0 : i32, i32
  }
  func.func @transform_3(%arg0: i32) -> (i32, i32) {
    %c0_i32 = arith.constant 0 : i32
    %c0_i32_0 = arith.constant 0 : i32
    %c0_i32_1 = arith.constant 0 : i32
    return %c0_i32, %c0_i32_0 : i32, i32
  }
  func.func @transform_4(%arg0: i32) -> (i32, i32) {
    %c0_i32 = arith.constant 0 : i32
    %c0_i32_0 = arith.constant 0 : i32
    %c0_i32_1 = arith.constant 0 : i32
    return %c0_i32, %c0_i32_0 : i32, i32
  }
  func.func @transform_5(%arg0: i32) -> (i32, i32) {
    %c0_i32 = arith.constant 0 : i32
    %c0_i32_0 = arith.constant 0 : i32
    %c0_i32_1 = arith.constant 0 : i32
    return %c0_i32, %c0_i32_0 : i32, i32
  }
  func.func @transform_6(%arg0: i32) -> (i32, i32) {
    %c0_i32 = arith.constant 0 : i32
    %c0_i32_0 = arith.constant 0 : i32
    %c0_i32_1 = arith.constant 0 : i32
    return %c0_i32, %c0_i32_0 : i32, i32
  }
  func.func @transform_7(%arg0: i32) -> (i32, i32) {
    %c0_i32 = arith.constant 0 : i32
    %c0_i32_0 = arith.constant 0 : i32
    %c0_i32_1 = arith.constant 0 : i32
    return %c0_i32, %c0_i32_0 : i32, i32
  }
  func.func @transform_8(%arg0: i32) -> (i32, i32) {
    %c0_i32 = arith.constant 0 : i32
    %c0_i32_0 = arith.constant 0 : i32
    %c0_i32_1 = arith.constant 0 : i32
    return %c0_i32, %c0_i32_0 : i32, i32
  }
  func.func @transform_9(%arg0: i32) -> (i32, i32) {
    %c0_i32 = arith.constant 0 : i32
    %c0_i32_0 = arith.constant 0 : i32
    %c0_i32_1 = arith.constant 0 : i32
    return %c0_i32, %c0_i32_0 : i32, i32
  }
  func.func @transform_10(%arg0: i32) -> (i32, i32) {
    %c0_i32 = arith.constant 0 : i32
    %c0_i32_0 = arith.constant 0 : i32
    %c0_i32_1 = arith.constant 0 : i32
    return %c0_i32, %c0_i32_0 : i32, i32
  }
  func.func @transform_11(%arg0: i32) -> (i32, i32) {
    %c0_i32 = arith.constant 0 : i32
    %c0_i32_0 = arith.constant 0 : i32
    %c0_i32_1 = arith.constant 0 : i32
    return %c0_i32, %c0_i32_0 : i32, i32
  }
  func.func @transform_12(%arg0: i32) -> (i32, i32) {
    %c0_i32 = arith.constant 0 : i32
    %c0_i32_0 = arith.constant 0 : i32
    %c0_i32_1 = arith.constant 0 : i32
    return %c0_i32, %c0_i32_0 : i32, i32
  }
  func.func @transform_13(%arg0: i32) -> (i32, i32) {
    %c0_i32 = arith.constant 0 : i32
    %c0_i32_0 = arith.constant 0 : i32
    %c0_i32_1 = arith.constant 0 : i32
    return %c0_i32, %c0_i32_0 : i32, i32
  }
  func.func @transform_14(%arg0: i32) -> (i32, i32) {
    %c0_i32 = arith.constant 0 : i32
    %c0_i32_0 = arith.constant 0 : i32
    %c0_i32_1 = arith.constant 0 : i32
    return %c0_i32, %c0_i32_0 : i32, i32
  }
  func.func @transform_15(%arg0: i32) -> (i32, i32) {
    %c0_i32 = arith.constant 0 : i32
    %c0_i32_0 = arith.constant 0 : i32
    %c0_i32_1 = arith.constant 0 : i32
    return %c0_i32, %c0_i32_0 : i32, i32
  }
  func.func @transform_16(%arg0: i32) -> (i32, i32) {
    %c0_i32 = arith.constant 0 : i32
    %c0_i32_0 = arith.constant 0 : i32
    %c0_i32_1 = arith.constant 0 : i32
    return %c0_i32, %c0_i32_0 : i32, i32
  }
  func.func @transform_17(%arg0: i32) -> (i32, i32) {
    %c0_i32 = arith.constant 0 : i32
    %c0_i32_0 = arith.constant 0 : i32
    %c0_i32_1 = arith.constant 0 : i32
    return %c0_i32, %c0_i32_0 : i32, i32
  }
  func.func @transform_18(%arg0: i32) -> (i32, i32) {
    %c0_i32 = arith.constant 0 : i32
    %c0_i32_0 = arith.constant 0 : i32
    %c0_i32_1 = arith.constant 0 : i32
    return %c0_i32, %c0_i32_0 : i32, i32
  }
  func.func @transform_19(%arg0: i32) -> (i32, i32) {
    %c0_i32 = arith.constant 0 : i32
    %c0_i32_0 = arith.constant 0 : i32
    %c0_i32_1 = arith.constant 0 : i32
    return %c0_i32, %c0_i32_0 : i32, i32
  }
  func.func @transform_20(%arg0: i32) -> (i32, i32) {
    %c0_i32 = arith.constant 0 : i32
    %c0_i32_0 = arith.constant 0 : i32
    %c0_i32_1 = arith.constant 0 : i32
    return %c0_i32, %c0_i32_0 : i32, i32
  }
  func.func @transform_21(%arg0: i32) -> (i32, i32) {
    %c0_i32 = arith.constant 0 : i32
    %c0_i32_0 = arith.constant 0 : i32
    %c0_i32_1 = arith.constant 0 : i32
    return %c0_i32, %c0_i32_0 : i32, i32
  }
  func.func @transform_22(%arg0: i32) -> (i32, i32) {
    %c0_i32 = arith.constant 0 : i32
    %c0_i32_0 = arith.constant 0 : i32
    %c0_i32_1 = arith.constant 0 : i32
    return %c0_i32, %c0_i32_0 : i32, i32
  }
  func.func @transform_23(%arg0: i32) -> (i32, i32) {
    %c0_i32 = arith.constant 0 : i32
    %c0_i32_0 = arith.constant 0 : i32
    %c0_i32_1 = arith.constant 0 : i32
    return %c0_i32, %c0_i32_0 : i32, i32
  }
  func.func @transform_24(%arg0: i32) -> (i32, i32) {
    %c0_i32 = arith.constant 0 : i32
    %c0_i32_0 = arith.constant 0 : i32
    %c0_i32_1 = arith.constant 0 : i32
    return %c0_i32, %c0_i32_0 : i32, i32
  }
  func.func @transform_25(%arg0: i32) -> (i32, i32) {
    %c0_i32 = arith.constant 0 : i32
    %c0_i32_0 = arith.constant 0 : i32
    %c0_i32_1 = arith.constant 0 : i32
    return %c0_i32, %c0_i32_0 : i32, i32
  }
  func.func @transform_26(%arg0: i32) -> (i32, i32) {
    %c0_i32 = arith.constant 0 : i32
    %c0_i32_0 = arith.constant 0 : i32
    %c0_i32_1 = arith.constant 0 : i32
    return %c0_i32, %c0_i32_0 : i32, i32
  }
  func.func @transform_27(%arg0: i32) -> (i32, i32) {
    %c0_i32 = arith.constant 0 : i32
    %c0_i32_0 = arith.constant 0 : i32
    %c0_i32_1 = arith.constant 0 : i32
    return %c0_i32, %c0_i32_0 : i32, i32
  }
  func.func @transform_28(%arg0: i32) -> (i32, i32) {
    %c0_i32 = arith.constant 0 : i32
    %c0_i32_0 = arith.constant 0 : i32
    %c0_i32_1 = arith.constant 0 : i32
    return %c0_i32, %c0_i32_0 : i32, i32
  }
  func.func @transform_29(%arg0: i32) -> (i32, i32) {
    %c0_i32 = arith.constant 0 : i32
    %c0_i32_0 = arith.constant 0 : i32
    %c0_i32_1 = arith.constant 0 : i32
    return %c0_i32, %c0_i32_0 : i32, i32
  }
  func.func @transform_30(%arg0: i32) -> i32 {
    %c0_i32 = arith.constant 0 : i32
    %c0_i32_0 = arith.constant 0 : i32
    return %c0_i32 : i32
  }
  func.func @transform_31(%arg0: i32) -> (i32, i32) {
    %c0_i32 = arith.constant 0 : i32
    %c0_i32_0 = arith.constant 0 : i32
    return %arg0, %c0_i32 : i32, i32
  }
}

</mosaic_0001>

<sc_bundles>
// kernel: kernel.6.cloned.1.call-start
scs
__scs_entry_jumppad:
0x0: {  	(pc) =	sbr.rel $0x88, $3  }
0x1: {  	(tag) =	ssettag $0x0;
	lr =	simm.s32 $0x1  }
0x2: {  	[smem:$0x3F67] =	sst lr;
	_ =	strace $0xD0000000  }
0x3: {  	_ = 	snop  }
0x4: {  	_ = 	snop  }
0x5: {  	_ = 	snop  }
0x6: {  	_ = 	snop  }
0x7: {  	_ = 	snop  }
__scs_overlays_trampoline_lowered:
0x8: {  	[smem:$0x3F76] =	sst s0  }
0x9: {  	[smem:$0x3F77] =	sst s1  }
0xa: {  	[smem:$0x3F78] =	sst s2  }
0xb: {  	[smem:$0x3F79] =	sst s3  }
0xc: {  	[smem:$0x3F7A] =	sst s4  }
0xd: {  	[smem:$0x3F7B] =	sst s5  }
0xe: {  	[smem:$0x3F7C] =	sst s6  }
0xf: {  	[smem:$0x3F7D] =	sst s7  }
0x10: {  	[smem:$0x3F7E] =	sst s8  }
0x11: {  	[smem:$0x3F7F] =	sst s9;
	s0 =	simm.s32 @!p0 $0x0  }
0x12: {  	s1 =	sld [smem:$0x3F65];
	s0 =	simm.s32 @p0 $0x1  }
0x13: {  	[smem:$0x3F80] =	sst s0;
	s0 =	simm.s32 @!p1 $0x0  }
0x14: {  	s2 =	sld [smem:$0x3F64];
	s0 =	simm.s32 @p1 $0x1  }
0x15: {  	[smem:$0x3F81] =	sst s0;
	s0 =	simm.s32 @!p2 $0x0  }
0x16: {  	s3 =	sld [smem:$0x3FDB];
	s0 =	simm.s32 @p2 $0x1  }
0x17: {  	s4 =	simm.s32 $0x1BF5;
	[smem:$0x3F83] =	sst s0  }
0x18: {  	s0 =	sld [smem:$0x3F66];
	_ =	swait.ge [sflag:s4], $0x0  }
0x19: {  	s7 =	sld [smem:$0x3F67]  }
0x1a: {  	s8 =	sadd.s32 $0xFFFFE003, lr  }
0x1b: {  	s9 =	sadd.s32 $0xFFFFFEF7, lr;
	s5 =	simm.s32 $0xFFFFFFFF;
	p2 =	slt.u32 s8, $0xFFFFF086  }
0x1c: {  	p1 =	slt.u32 s9, $0xF7A;
	s5 =	simm.s32 @!p2 $0x0  }
0x1d: {  	s5 =	simm.s32 @p1 $0x1;
	p0 =	seq.s32 s7, s2  }
0x1e: {  	s7 =	smul.u32 @!p0 $0xF7A, s2;
	p2 =	seq.s32 @!p0 s5, $0x0  }
0x1f: {  	s9 =	smul.u32 $0xF7A, s1;
	s8 =	simm.s32 @!p0 $0x1BF5;
	p2 =	por !p2, p0  }
0x20: {  	[sflag:s8] =	ssyncset.s32 @!p0 $0xFFFFF086;
	s6 =	sadd.s32 @!p0 s3, s7;
	s7 =	simm.s32 @!p0 $0x108  }
0x21: {  	s3 =	sadd.s32 s3, s9;
	s6 =	sadd.s32 @!p0 $0x88, s6;
	s7 =	simm.s32 @p2 $0x1082  }
0x22: {  	[simem:s7], [sflag:s8] =	dma.local @!p0 [hbm:s6], $0xF7A  }
0x23: {  	s9 =	sor.u32 $0xD0000000, s2;
	s6 =	simm.s32 $0x108;
	_ =	swait.ge @!p0 [sflag:s8], $0x0  }
0x24: {  	s3 =	sadd.s32 $0x88, s3;
	s6 =	simm.s32 @!p1 $0x1082;
	[sflag:s4] =	ssyncset.s32 $0xFFFFF086  }
0x25: {  	[simem:s6], [sflag:s4] =	dma.local [hbm:s3], $0xF7A  }
0x26: {  	[smem:$0x3F67] =	sst s1;
	(tag) =	ssettag s2;
	_ =	strace s9  }
0x27: {  	s1 =	sld [smem:$0x3F77]  }
0x28: {  	s2 =	sld [smem:$0x3F78]  }
0x29: {  	s4 =	sld [smem:$0x3F7A]  }
0x2a: {  	p0 =	seq.s32 s5, $0x0;
	s5 =	sld [smem:$0x3F7B]  }
0x2b: {  	s6 =	sld [smem:$0x3F7C]  }
0x2c: {  	s7 =	sld [smem:$0x3F7D]  }
0x2d: {  	s3 =	simm.s32 $0x108;
	s8 =	sld [smem:$0x3F7E]  }
0x2e: {  	s3 =	simm.s32 @!p0 $0x1082;
	s9 =	sld [smem:$0x3F7F]  }
0x2f: {  	lr =	sadd.s32 s0, s3;
	s0 =	sld [smem:$0x3F76]  }
0x30: {  	s3 =	sld [smem:$0x3F79]  }
0x31: {  	[smem:$0x3F82] =	sst s10  }
0x32: {  	s10 =	sld [smem:$0x3F80];
	_ =	sdelay $0x3  }
0x33: {  	p0 =	seq.s32 s10, $0x1;
	s10 =	sld [smem:$0x3F82];
	_ =	sdelay $0x3  }
0x34: {  	[smem:$0x3F82] =	sst s10  }
0x35: {  	s10 =	sld [smem:$0x3F81];
	_ =	sdelay $0x3  }
0x36: {  	p1 =	seq.s32 s10, $0x1;
	s10 =	sld [smem:$0x3F82];
	_ =	sdelay $0x3  }
0x37: {  	[smem:$0x3F82] =	sst s10  }
0x38: {  	s10 =	sld [smem:$0x3F83]  }
0x39: {  	_ = 	snop;
	(pc) =	sbr.ind lr, $3  }
0x3a: {  	_ = 	snop  }
0x3b: {  	_ = 	snop  }
0x3c: {  	p2 =	seq.s32 s10, $0x1;
	s10 =	sld [smem:$0x3F82]  }
0x3d: {  	_ =	shalt  }
0x3e: {  	_ =	shalt  }
0x3f: {  	_ =	shalt  }
0x40: {  	_ =	shalt  }
0x41: {  	_ =	shalt  }
0x42: {  	_ =	shalt  }
0x43: {  	_ =	shalt  }
0x44: {  	_ =	shalt  }
0x45: {  	_ =	shalt  }
0x46: {  	_ =	shalt  }
0x47: {  	_ =	shalt  }
0x48: {  	_ =	shalt  }
0x49: {  	_ =	shalt  }
0x4a: {  	_ =	shalt  }
0x4b: {  	_ =	shalt  }
0x4c: {  	_ =	shalt  }
0x4d: {  	_ =	shalt  }
0x4e: {  	_ =	shalt  }
0x4f: {  	_ =	shalt  }
0x50: {  	_ =	shalt  }
0x51: {  	_ =	shalt  }
0x52: {  	_ =	shalt  }
0x53: {  	_ =	shalt  }
0x54: {  	_ =	shalt  }
0x55: {  	_ =	shalt  }
0x56: {  	_ =	shalt  }
0x57: {  	_ =	shalt  }
0x58: {  	_ =	shalt  }
0x59: {  	_ =	shalt  }
0x5a: {  	_ =	shalt  }
0x5b: {  	_ =	shalt  }
0x5c: {  	_ =	shalt  }
0x5d: {  	_ =	shalt  }
0x5e: {  	_ =	shalt  }
0x5f: {  	_ =	shalt  }
0x60: {  	_ =	shalt  }
0x61: {  	_ =	shalt  }
0x62: {  	_ =	shalt  }
0x63: {  	_ =	shalt  }
0x64: {  	_ =	shalt  }
0x65: {  	_ =	shalt  }
0x66: {  	_ =	shalt  }
0x67: {  	_ =	shalt  }
0x68: {  	_ =	shalt  }
0x69: {  	_ =	shalt  }
0x6a: {  	_ =	shalt  }
0x6b: {  	_ =	shalt  }
0x6c: {  	_ =	shalt  }
0x6d: {  	_ =	shalt  }
0x6e: {  	_ =	shalt  }
0x6f: {  	_ =	shalt  }
0x70: {  	_ =	shalt  }
0x71: {  	_ =	shalt  }
0x72: {  	_ =	shalt  }
0x73: {  	_ =	shalt  }
0x74: {  	_ =	shalt  }
0x75: {  	_ =	shalt  }
0x76: {  	_ =	shalt  }
0x77: {  	_ =	shalt  }
0x78: {  	_ =	shalt  }
0x79: {  	_ =	shalt  }
0x7a: {  	_ =	shalt  }
0x7b: {  	_ =	shalt  }
0x7c: {  	_ =	shalt  }
0x7d: {  	_ =	shalt  }
0x7e: {  	_ =	shalt  }
0x7f: {  	_ =	shalt  }
0x80: {  	_ =	shalt  }
0x81: {  	_ =	shalt  }
0x82: {  	_ =	shalt  }
0x83: {  	_ =	shalt  }
0x84: {  	_ =	shalt  }
0x85: {  	_ =	shalt  }
0x86: {  	_ =	shalt  }
0x87: {  	_ =	shalt  }
.Lfunc_end0:
.L_simem_size_0:
called_computation_lowered:
.L_overlay_start_0:
0x88: {  	s2 =	sld [smem:$0x3FD9]  }
0x89: {  	s3 =	sld [smem:$0x3FFE];
	_ =	sdelay $0x1  }
0x8a: {  	s1 =	srdreg.scid  }
0x8b: {  	s0 =	sand.u32 $0x1, s1  }
0x8c: {  	s16 =	sshll.u32 s0, $0xA;
	s2 =	sadd.s32 s3, s2  }
0x8d: {  	s2 =	sadd.s32 s2, s16  }
0x8e: {  	[smem:$0x3F8E] =	sst s2  }
0x8f: {  	_ = 	snop  }
0x90: {  	(tm) =	ssettm $0x1  }
0x91: {  	s17 =	sld [smem:$0x3FFB];
	_ =	sdelay $0x3  }
0x92: {  	_ =	strace s17  }
0x93: {  	s2 =	sld [smem:$0x3FFC];
	_ =	sdelay $0x3  }
0x94: {  	_ =	strace s2  }
0x95: {  	s2 =	sld [smem:$0x3FFD];
	_ =	sdelay $0x3  }
0x96: {  	_ =	strace s2  }
0x97: {  	_ =	strace $0x8FFFFFFF  }
0x98: {  	s18 =	sld [smem:$0x3FDB];
	_ =	sdelay $0x1  }
0x99: {  	s19 =	simm.s32 $_scs_section_size  }
0x9a: {  	s4 =	simm.s32 $_size__tile_overlayer_lowered;
	s5 =	simm.s32 $_tile_overlayer_lowered  }
0x9b: {  	s22 =	simm.s32 $0x1BFF;
	s21 =	sshll.u32 s5, $0x1;
	s2 =	sadd.s32 s19, s18  }
0x9c: {  	s6 =	simm.s32 $0x0;
	s20 =	sshll.u32 s4, $0x1;
	s4 =	sadd.s32 s21, s2  }
0x9d: {  	[timem:s6], [sflag:s22] =	dma.local [hbm:s4], s20  }
0x9e: {  	_ =	swait.ge [sflag:s22], s20  }
0x9f: {  	s3 =	ssub.s32 $0x0, s20;
	[sflag:s22] =	ssyncset.done $0x0  }
0xa0: {  	[sflag:s22] =	ssyncadd.s32 s3;
	_ =	sdelay $0x1  }
0xa1: {  	s23 =	simm.s32 $0x1B8B  }
0xa2: {  	_ =	swait.ge [sflag:s23], $0x1  }
0xa3: {  	[sflag:s23] =	ssyncset.done $0x0  }
0xa4: {  	s25 =	simm.s32 $0x1B8E;
	s24 =	sld [smem:$0x3FFE];
	[sflag:s23] =	ssyncadd.s32 $0xFFFFFFFF  }
0xa5: {  	s26 =	simm.s32 $execute0_lowered;
	[smem:$0x3FD2] =	sst s25  }
0xa6: {  	s4 =	sshll.u32 s26, $0x1;
	_ =	strace $0x80000046;
	[dreg:$0x1] =	wrdreg $0xFFFFFFFF  }
0xa7: {  	s28 =	simm.s32 $_size_execute0_lowered;
	s2 =	sadd.s32 s2, s4;
	[dreg:$0x0] =	wrdreg $0x0  }
0xa8: {  	s4 =	sshll.u32 s28, $0x1;
	[dreg:$0x2] =	wrdreg s2  }
0xa9: {  	[dreg:$0x3] =	wrdreg s4  }
0xaa: {  	[dreg:$0x4] =	wrdreg $0xC0  }
0xab: {  	_ =	task [dreg:s6], $0x5FFFF  }
0xac: {  	[dreg:$0x1] =	wrdreg $0xFFFFFFFF  }
0xad: {  	[dreg:$0x0] =	wrdreg $0x60  }
0xae: {  	[dreg:$0x2] =	wrdreg s24  }
0xaf: {  	[dreg:$0x3] =	wrdreg $0x9  }
0xb0: {  	_ =	task.clear_ibuf [dreg:s6], $0x4FFFF;
	_ =	strace $0x90000046  }
0xb1: {  	s29 =	simm.s32 $0x9;
	_ =	strace $0x80000048  }
0xb2: {  	_ =	swait.ge [sflag:s29], $0x1  }
0xb3: {  	[sflag:s29] =	ssyncadd.s32 $0xFFFFFFFF  }
0xb4: {  	_ =	strace $0x90000048  }
0xb5: {  	_ =	sfence  }
0xb6: {  	s30 =	sld [smem:$0x0];
	_ =	sdelay $0x2  }
0xb7: {  	s31 =	sshll.u32 s1, $0xD;
	s1 =	sshrl.u32 s1, $0x2  }
0xb8: {  	s3 =	sand.u32 $0x4000, s31;
	s1 =	sadd.s32 s1, s30  }
0xb9: {  	s0 =	sor.u32 s3, s0;
	s1 =	sshll.u32 s1, $0x11  }
0xba: {  	s0 =	sor.u32 s1, s0  }
0xbb: {  	s0 =	sadd.s32 $0x8F2B, s0  }
0xbc: {  	[sflag:s0] =	ssyncadd.remote.s32 $0x1  }
0xbd: {  	_ =	sfence.sel $0xFFFF  }
0xbe: {  	[dreg:$0x0] =	wrdreg $0xFFFFFFFF;
	(pc) =	sbr.abs _section_cstart, $3  }
0xbf: {  	[dreg:$0x1] =	wrdreg $0xFFFFFFFF  }
0xc0: {  	_ =	task.clear_ibuf [dreg:s6], $0x2FFFF;
	_ =	strace $0x9FFFFFFF  }
0xc1: {  	(tm) =	ssettm $0x7FFFFFFF  }
tec
execute0_lowered:
.L_overlay_start_1:
0x0: {  	(tag) =	ssettag $0x1  }
0x1: {  	s1 =	srdreg.scid;
	s0 =	stileid.u32  }
0x2: {  	s29 =	sand.u32 $0x1, s1;
	s26 =	sshll.u32 s0, $0x1  }
0x3: {  	s19 =	sor.u32 s29, s26  }
0x4: {  	s3 =	smul.u32 $0x68, s19  }
0x5: {  	s20 =	rddreg [dreg:$0x0];
	s2 =	simm.s32 $0x0  }
0x6: {  	[smem:$0x7FF] =	sst s2;
	s5 =	sadd.s32 s3, s20  }
0x7: {  	_ =	strace $0x80000047;
	s3 =	simm.s32 $0x6;
	s4 =	sadd.s32 $0x6E00, s5  }
0x8: {  	[tilespmem:s2], [sflag:$0x6] =	stream.linear.gather [hbm4b:s4+s2], $0x340, $0x38;
	[tilespmem:$0x1B380] =	vst v63  }
0x9: {  	_ =	swait.ge [sflag:s3], $0x340  }
0xa: {  	s6 =	simm.s32 $0x340;
	[sflag:s3] =	ssyncset.done $0x0  }
0xb: {  	s7 =	smul.u32 $0xD0, s19;
	s5 =	sadd.s32 $0x6000, s5;
	[sflag:s3] =	ssyncadd.s32 $0xFFFFFCC0  }
0xc: {  	[tilespmem:s6], [sflag:$0x6] =	stream.linear.gather [hbm4b:s5+s2], $0x340, $0x38;
	[tilespmem:$0x1B380] =	vst v63  }
0xd: {  	_ =	swait.ge [sflag:s3], $0x340  }
0xe: {  	s30 =	sadd.s32 s7, s20;
	[sflag:s3] =	ssyncset.done $0x0  }
0xf: {  	s8 =	simm.s32 $0x1A680;
	s7 =	sadd.s32 $0x7C00, s30;
	[sflag:s3] =	ssyncadd.s32 $0xFFFFFCC0  }
0x10: {  	[tilespmem:s8], [sflag:$0x6] =	stream.linear.gather [hbm4b:s7+s2], $0x680, $0x38;
	[tilespmem:$0x1B380] =	vst v63  }
0x11: {  	_ =	swait.ge [sflag:s3], $0x680  }
0x12: {  	s10 =	simm.s32 $0x680;
	[sflag:s3] =	ssyncset.done $0x0  }
0x13: {  	s11 =	simm.s32 $0x1AD00;
	s9 =	sadd.s32 $0x9600, s20;
	[sflag:s3] =	ssyncadd.s32 $0xFFFFF980  }
0x14: {  	[tilespmem:s11], [sflag:$0x5] =	stream.indirect.gather [hbm4b:s9+s10], $0x1, s8, s10, $0xb8;
	[tilespmem:$0x1B380] =	vst v63  }
0x15: {  	s13 =	simm.s32 $0x1A0;
	s12 =	sadd.s32 $0x190000, s20  }
0x16: {  	[tilespmem:s10], [sflag:$0x1] =	stream.indirect.gather [hbm4b:s12+s13], $0x40, s2, s13, $0xb8;
	[tilespmem:$0x1B380] =	vst v63  }
0x17: {  	s14 =	simm.s32 $0x6E80  }
0x18: {  	[tilespmem:s14], [sflag:$0x2] =	stream.indirect.gather [hbm4b:s12+s13], $0x40, s6, s13, $0xb8;
	[tilespmem:$0x1B380] =	vst v63  }
0x19: {  	s15 =	simm.s32 $0xD680  }
0x1a: {  	[tilespmem:s15], [sflag:$0x3] =	stream.indirect.gather [hbm4b:s12+s13], $0x40, s13, s13, $0xb8;
	[tilespmem:$0x1B380] =	vst v63  }
0x1b: {  	s16 =	simm.s32 $0x4E0;
	s17 =	simm.s32 $0x13E80;
	s18 =	simm.s32 $0x1  }
0x1c: {  	[tilespmem:s17], [sflag:$0x4] =	stream.indirect.gather [hbm4b:s12+s13], $0x40, s16, s13, $0xb8;
	[tilespmem:$0x1B380] =	vst v63  }
0x1d: {  	s19 =	smul.u32 $0x1A000, s19;
	_ =	swait.ge [sflag:s18], $0x6800  }
0x1e: {  	[sflag:s18] =	ssyncset.done $0x0  }
0x1f: {  	s21 =	sshrl.u32 s19, $0x3;
	s19 =	simm.s32 $0x2;
	[sflag:s18] =	ssyncadd.s32 $0xFFFF9800  }
0x20: {  	_ =	swait.ge [sflag:s19], $0x6800  }
0x21: {  	s22 =	simm.s32 $0x80;
	s28 =	sadd.s32 s21, s20;
	[sflag:s19] =	ssyncset.done $0x0  }
0x22: {  	s21 =	simm.s32 $0x40;
	s20 =	sadd.s32 $0xE200, s28;
	[sflag:s19] =	ssyncadd.s32 $0xFFFF9800  }
0x23: {  	[hbm4b:s20+s21] =	stream.strided.scatter [tilespmem:s10], [sflag:$0x6], $0x6800, s22, s21, $0x38;
	[tilespmem:$0x1B380] =	vst v63  }
0x24: {  	_ =	swait.ge [sflag:s3], $0x6800  }
0x25: {  	[sflag:s3] =	ssyncset.done $0x0  }
0x26: {  	s23 =	sadd.s32 $0xE208, s28;
	[sflag:s3] =	ssyncadd.s32 $0xFFFF9800  }
0x27: {  	[hbm4b:s23+s21] =	stream.strided.scatter [tilespmem:s14], [sflag:$0x6], $0x6800, s22, s21, $0x38;
	[tilespmem:$0x1B380] =	vst v63  }
0x28: {  	_ =	swait.ge [sflag:s3], $0x6800  }
0x29: {  	[sflag:s3] =	ssyncset.done $0x0  }
0x2a: {  	s24 =	simm.s32 $0x3;
	[sflag:s3] =	ssyncadd.s32 $0xFFFF9800  }
0x2b: {  	_ =	swait.ge [sflag:s24], $0x6800  }
0x2c: {  	[sflag:s24] =	ssyncset.done $0x0  }
0x2d: {  	s25 =	simm.s32 $0x4;
	[sflag:s24] =	ssyncadd.s32 $0xFFFF9800  }
0x2e: {  	_ =	swait.ge [sflag:s25], $0x6800  }
0x2f: {  	[sflag:s25] =	ssyncset.done $0x0  }
0x30: {  	s26 =	sadd.s32 $0xFC00, s28;
	[sflag:s25] =	ssyncadd.s32 $0xFFFF9800  }
0x31: {  	[hbm4b:s26+s21] =	stream.strided.scatter [tilespmem:s15], [sflag:$0x6], $0x6800, s22, s21, $0x38;
	[tilespmem:$0x1B380] =	vst v63  }
0x32: {  	_ =	swait.ge [sflag:s3], $0x6800  }
0x33: {  	[sflag:s3] =	ssyncset.done $0x0  }
0x34: {  	s31 =	ssub.s32 $0x2, s29;
	s28 =	sadd.s32 $0xFC08, s28;
	[sflag:s3] =	ssyncadd.s32 $0xFFFF9800  }
0x35: {  	[hbm4b:s28+s21] =	stream.strided.scatter [tilespmem:s17], [sflag:$0x6], $0x6800, s22, s21, $0x38;
	[tilespmem:$0x1B380] =	vst v63  }
0x36: {  	s1 =	sshrl.u32 s31, $0x1;
	_ =	swait.ge [sflag:s3], $0x6800  }
0x37: {  	s1 =	ssub.s32 s31, s1;
	[sflag:s3] =	ssyncset.done $0x0  }
0x38: {  	s29 =	simm.s32 $0x5;
	s1 =	smax.u32 s1, $0x1;
	[sflag:s3] =	ssyncadd.s32 $0xFFFF9800  }
0x39: {  	p0 =	sne.s32 s1, $0x1;
	_ =	swait.ge [sflag:s29], $0x680  }
.Ltmp0:
0x3a: {  	[sflag:s29] =	ssyncset.done $0x0;
	(pc) =	sbr.rel @!p0 .LBB2_2-.Ltmp0, $4  }
0x3b: {  	s30 =	sadd.s32 $0xC800, s30;
	[sflag:s29] =	ssyncadd.s32 $0xFFFFF980  }
0x3c: {  	[hbm4b:s30+s2] =	stream.linear.scatter [tilespmem:s11], [sflag:$0x6], $0x680, $0x38;
	[tilespmem:$0x1B380] =	vst v63  }
0x3d: {  	_ =	swait.ge [sflag:s3], $0x680  }
0x3e: {  	s31 =	sadd.s32 $0xFFFFFFFF, s1;
	[sflag:s3] =	ssyncset.done $0x0  }
.LBB2_1:
0x3f: {  	p0 =	sne.s32 s31, $0x1;
	s31 =	sadd.s32 $0xFFFFFFFF, s31;
	[sflag:s3] =	ssyncadd.s32 $0xFFFFF980  }
0x40: {  	[tilespmem:s2], [sflag:$0x6] =	stream.linear.gather [hbm4b:s4+s2], $0x340, $0x38;
	[tilespmem:$0x1B380] =	vst v63  }
0x41: {  	_ =	swait.ge [sflag:s3], $0x340  }
0x42: {  	[sflag:s3] =	ssyncset.done $0x0  }
0x43: {  	[sflag:s3] =	ssyncadd.s32 $0xFFFFFCC0  }
0x44: {  	[tilespmem:s6], [sflag:$0x6] =	stream.linear.gather [hbm4b:s5+s2], $0x340, $0x38;
	[tilespmem:$0x1B380] =	vst v63  }
0x45: {  	_ =	swait.ge [sflag:s3], $0x340  }
0x46: {  	[sflag:s3] =	ssyncset.done $0x0  }
0x47: {  	[sflag:s3] =	ssyncadd.s32 $0xFFFFFCC0  }
0x48: {  	[tilespmem:s8], [sflag:$0x6] =	stream.linear.gather [hbm4b:s7+s2], $0x680, $0x38;
	[tilespmem:$0x1B380] =	vst v63  }
0x49: {  	_ =	swait.ge [sflag:s3], $0x680  }
0x4a: {  	[sflag:s3] =	ssyncset.done $0x0  }
0x4b: {  	[sflag:s3] =	ssyncadd.s32 $0xFFFFF980  }
0x4c: {  	[tilespmem:s11], [sflag:$0x5] =	stream.indirect.gather [hbm4b:s9+s10], $0x1, s8, s10, $0xb8;
	[tilespmem:$0x1B380] =	vst v63  }
0x4d: {  	_ = 	snop  }
0x4e: {  	[tilespmem:s10], [sflag:$0x1] =	stream.indirect.gather [hbm4b:s12+s13], $0x40, s2, s13, $0xb8;
	[tilespmem:$0x1B380] =	vst v63  }
0x4f: {  	_ = 	snop  }
0x50: {  	[tilespmem:s14], [sflag:$0x2] =	stream.indirect.gather [hbm4b:s12+s13], $0x40, s6, s13, $0xb8;
	[tilespmem:$0x1B380] =	vst v63  }
0x51: {  	_ = 	snop  }
0x52: {  	[tilespmem:s15], [sflag:$0x3] =	stream.indirect.gather [hbm4b:s12+s13], $0x40, s13, s13, $0xb8;
	[tilespmem:$0x1B380] =	vst v63  }
0x53: {  	_ = 	snop  }
0x54: {  	[tilespmem:s17], [sflag:$0x4] =	stream.indirect.gather [hbm4b:s12+s13], $0x40, s16, s13, $0xb8;
	[tilespmem:$0x1B380] =	vst v63  }
0x55: {  	_ =	swait.ge [sflag:s18], $0x6800  }
0x56: {  	[sflag:s18] =	ssyncset.done $0x0  }
0x57: {  	[sflag:s18] =	ssyncadd.s32 $0xFFFF9800  }
0x58: {  	_ =	swait.ge [sflag:s19], $0x6800  }
0x59: {  	[sflag:s19] =	ssyncset.done $0x0  }
0x5a: {  	[sflag:s19] =	ssyncadd.s32 $0xFFFF9800  }
0x5b: {  	[hbm4b:s20+s21] =	stream.strided.scatter [tilespmem:s10], [sflag:$0x6], $0x6800, s22, s21, $0x38;
	[tilespmem:$0x1B380] =	vst v63  }
0x5c: {  	_ =	swait.ge [sflag:s3], $0x6800  }
0x5d: {  	[sflag:s3] =	ssyncset.done $0x0  }
0x5e: {  	[sflag:s3] =	ssyncadd.s32 $0xFFFF9800  }
0x5f: {  	[hbm4b:s23+s21] =	stream.strided.scatter [tilespmem:s14], [sflag:$0x6], $0x6800, s22, s21, $0x38;
	[tilespmem:$0x1B380] =	vst v63  }
0x60: {  	_ =	swait.ge [sflag:s3], $0x6800  }
0x61: {  	[sflag:s3] =	ssyncset.done $0x0  }
0x62: {  	[sflag:s3] =	ssyncadd.s32 $0xFFFF9800  }
0x63: {  	_ =	swait.ge [sflag:s24], $0x6800  }
0x64: {  	[sflag:s24] =	ssyncset.done $0x0  }
0x65: {  	[sflag:s24] =	ssyncadd.s32 $0xFFFF9800  }
0x66: {  	_ =	swait.ge [sflag:s25], $0x6800  }
0x67: {  	[sflag:s25] =	ssyncset.done $0x0  }
0x68: {  	[sflag:s25] =	ssyncadd.s32 $0xFFFF9800  }
0x69: {  	[hbm4b:s26+s21] =	stream.strided.scatter [tilespmem:s15], [sflag:$0x6], $0x6800, s22, s21, $0x38;
	[tilespmem:$0x1B380] =	vst v63  }
0x6a: {  	_ =	swait.ge [sflag:s3], $0x6800  }
0x6b: {  	[sflag:s3] =	ssyncset.done $0x0  }
0x6c: {  	[sflag:s3] =	ssyncadd.s32 $0xFFFF9800  }
0x6d: {  	[hbm4b:s28+s21] =	stream.strided.scatter [tilespmem:s17], [sflag:$0x6], $0x6800, s22, s21, $0x38;
	[tilespmem:$0x1B380] =	vst v63  }
0x6e: {  	_ =	swait.ge [sflag:s3], $0x6800  }
0x6f: {  	[sflag:s3] =	ssyncset.done $0x0  }
0x70: {  	[sflag:s3] =	ssyncadd.s32 $0xFFFF9800  }
0x71: {  	_ =	swait.ge [sflag:s29], $0x680  }
.Ltmp1:
0x72: {  	[sflag:s29] =	ssyncset.done $0x0;
	(pc) =	sbr.rel @p0 .LBB2_1-.Ltmp1, $4  }
0x73: {  	[sflag:s29] =	ssyncadd.s32 $0xFFFFF980  }
0x74: {  	[hbm4b:s30+s2] =	stream.linear.scatter [tilespmem:s11], [sflag:$0x6], $0x680, $0x38;
	[tilespmem:$0x1B380] =	vst v63  }
0x75: {  	_ =	swait.ge [sflag:s3], $0x680  }
0x76: {  	[sflag:s3] =	ssyncset.done $0x0  }
.LBB2_2:
0x77: {  	[sflag:s3] =	ssyncadd.s32 $0xFFFFF980  }
0x78: {  	_ =	sfence.sel $0x180000  }
0x79: {  	[bflag:$0x0] =	sbarrier.arrive $0xFFFF  }
0x7a: {  	_ =	strace $0x90000047  }
0x7b: {  	[bflag:$0x2] =	sbarrier.arrive $0xFFFF  }
0x7c: {  	p0 =	sne.s32 s0, $0x0;
	s0 =	rddreg [dreg:$0x1]  }
0x7d: {  	s0 =	sadd.s32 @!p0 $0x100000, s0  }
0x7e: {  	[sflag:s0] =	ssyncadd.tile.s32 @!p0 $0x1;
	_ =	shalt  }
.Lfunc_end2:
_tile_overlayer_lowered:
.L_overlay_start_2:
0x7f: {  	(tag) =	ssettag $0x2  }
0x80: {  	s0 =	rddreg [dreg:$0x0];
	s2 =	stileid.u32  }
0x81: {  	s1 =	rddreg [dreg:$0x1];
	p0 =	sne.s32 s2, $0x0  }
0x82: {  	s3 =	rddreg [dreg:$0x2];
	[bflag:$0x3] =	sbarrier.arrive $0xFFFF;
	s2 =	simm.s32 @!p0 $0x1C06  }
0x83: {  	[timem:s3], [sflag:s2] =	dma.local @!p0 [hbm:s0], s1  }
0x84: {  	s0 =	simm.s32 @!p0 $0x6  }
0x85: {  	_ =	swait.ge @!p0 [sflag:s0], s1  }
0x86: {  	s1 =	ssub.s32 @!p0 $0x0, s1;
	[sflag:s0] =	ssyncset.done @!p0 $0x0  }
0x87: {  	[sflag:s0] =	ssyncadd.s32 @!p0 s1  }
0x88: {  	[bflag:$0x3] =	sbarrier.arrive $0xFFFF  }
0x89: {  	_ =	shalt  }

// kernel: kernel.9.cloned.1.call-start
scs
__scs_entry_jumppad:
0x0: {  	(pc) =	sbr.rel $0x88, $3  }
0x1: {  	(tag) =	ssettag $0x0;
	lr =	simm.s32 $0x1  }
0x2: {  	[smem:$0x3F67] =	sst lr;
	_ =	strace $0xD0000000  }
0x3: {  	_ = 	snop  }
0x4: {  	_ = 	snop  }
0x5: {  	_ = 	snop  }
0x6: {  	_ = 	snop  }
0x7: {  	_ = 	snop  }
__scs_overlays_trampoline_lowered:
0x8: {  	[smem:$0x3F76] =	sst s0  }
0x9: {  	[smem:$0x3F77] =	sst s1  }
0xa: {  	[smem:$0x3F78] =	sst s2  }
0xb: {  	[smem:$0x3F79] =	sst s3  }
0xc: {  	[smem:$0x3F7A] =	sst s4  }
0xd: {  	[smem:$0x3F7B] =	sst s5  }
0xe: {  	[smem:$0x3F7C] =	sst s6  }
0xf: {  	[smem:$0x3F7D] =	sst s7  }
0x10: {  	[smem:$0x3F7E] =	sst s8  }
0x11: {  	[smem:$0x3F7F] =	sst s9;
	s0 =	simm.s32 @!p0 $0x0  }
0x12: {  	s1 =	sld [smem:$0x3F65];
	s0 =	simm.s32 @p0 $0x1  }
0x13: {  	[smem:$0x3F80] =	sst s0;
	s0 =	simm.s32 @!p1 $0x0  }
0x14: {  	s2 =	sld [smem:$0x3F64];
	s0 =	simm.s32 @p1 $0x1  }
0x15: {  	[smem:$0x3F81] =	sst s0;
	s0 =	simm.s32 @!p2 $0x0  }
0x16: {  	s3 =	sld [smem:$0x3FDB];
	s0 =	simm.s32 @p2 $0x1  }
0x17: {  	s4 =	simm.s32 $0x1BF5;
	[smem:$0x3F83] =	sst s0  }
0x18: {  	s0 =	sld [smem:$0x3F66];
	_ =	swait.ge [sflag:s4], $0x0  }
0x19: {  	s7 =	sld [smem:$0x3F67]  }
0x1a: {  	s8 =	sadd.s32 $0xFFFFE003, lr  }
0x1b: {  	s9 =	sadd.s32 $0xFFFFFEF7, lr;
	s5 =	simm.s32 $0xFFFFFFFF;
	p2 =	slt.u32 s8, $0xFFFFF086  }
0x1c: {  	p1 =	slt.u32 s9, $0xF7A;
	s5 =	simm.s32 @!p2 $0x0  }
0x1d: {  	s5 =	simm.s32 @p1 $0x1;
	p0 =	seq.s32 s7, s2  }
0x1e: {  	s7 =	smul.u32 @!p0 $0xF7A, s2;
	p2 =	seq.s32 @!p0 s5, $0x0  }
0x1f: {  	s9 =	smul.u32 $0xF7A, s1;
	s8 =	simm.s32 @!p0 $0x1BF5;
	p2 =	por !p2, p0  }
0x20: {  	[sflag:s8] =	ssyncset.s32 @!p0 $0xFFFFF086;
	s6 =	sadd.s32 @!p0 s3, s7;
	s7 =	simm.s32 @!p0 $0x108  }
0x21: {  	s3 =	sadd.s32 s3, s9;
	s6 =	sadd.s32 @!p0 $0x88, s6;
	s7 =	simm.s32 @p2 $0x1082  }
0x22: {  	[simem:s7], [sflag:s8] =	dma.local @!p0 [hbm:s6], $0xF7A  }
0x23: {  	s9 =	sor.u32 $0xD0000000, s2;
	s6 =	simm.s32 $0x108;
	_ =	swait.ge @!p0 [sflag:s8], $0x0  }
0x24: {  	s3 =	sadd.s32 $0x88, s3;
	s6 =	simm.s32 @!p1 $0x1082;
	[sflag:s4] =	ssyncset.s32 $0xFFFFF086  }
0x25: {  	[simem:s6], [sflag:s4] =	dma.local [hbm:s3], $0xF7A  }
0x26: {  	[smem:$0x3F67] =	sst s1;
	(tag) =	ssettag s2;
	_ =	strace s9  }
0x27: {  	s1 =	sld [smem:$0x3F77]  }
0x28: {  	s2 =	sld [smem:$0x3F78]  }
0x29: {  	s4 =	sld [smem:$0x3F7A]  }
0x2a: {  	p0 =	seq.s32 s5, $0x0;
	s5 =	sld [smem:$0x3F7B]  }
0x2b: {  	s6 =	sld [smem:$0x3F7C]  }
0x2c: {  	s7 =	sld [smem:$0x3F7D]  }
0x2d: {  	s3 =	simm.s32 $0x108;
	s8 =	sld [smem:$0x3F7E]  }
0x2e: {  	s3 =	simm.s32 @!p0 $0x1082;
	s9 =	sld [smem:$0x3F7F]  }
0x2f: {  	lr =	sadd.s32 s0, s3;
	s0 =	sld [smem:$0x3F76]  }
0x30: {  	s3 =	sld [smem:$0x3F79]  }
0x31: {  	[smem:$0x3F82] =	sst s10  }
0x32: {  	s10 =	sld [smem:$0x3F80];
	_ =	sdelay $0x3  }
0x33: {  	p0 =	seq.s32 s10, $0x1;
	s10 =	sld [smem:$0x3F82];
	_ =	sdelay $0x3  }
0x34: {  	[smem:$0x3F82] =	sst s10  }
0x35: {  	s10 =	sld [smem:$0x3F81];
	_ =	sdelay $0x3  }
0x36: {  	p1 =	seq.s32 s10, $0x1;
	s10 =	sld [smem:$0x3F82];
	_ =	sdelay $0x3  }
0x37: {  	[smem:$0x3F82] =	sst s10  }
0x38: {  	s10 =	sld [smem:$0x3F83]  }
0x39: {  	_ = 	snop;
	(pc) =	sbr.ind lr, $3  }
0x3a: {  	_ = 	snop  }
0x3b: {  	_ = 	snop  }
0x3c: {  	p2 =	seq.s32 s10, $0x1;
	s10 =	sld [smem:$0x3F82]  }
0x3d: {  	_ =	shalt  }
0x3e: {  	_ =	shalt  }
0x3f: {  	_ =	shalt  }
0x40: {  	_ =	shalt  }
0x41: {  	_ =	shalt  }
0x42: {  	_ =	shalt  }
0x43: {  	_ =	shalt  }
0x44: {  	_ =	shalt  }
0x45: {  	_ =	shalt  }
0x46: {  	_ =	shalt  }
0x47: {  	_ =	shalt  }
0x48: {  	_ =	shalt  }
0x49: {  	_ =	shalt  }
0x4a: {  	_ =	shalt  }
0x4b: {  	_ =	shalt  }
0x4c: {  	_ =	shalt  }
0x4d: {  	_ =	shalt  }
0x4e: {  	_ =	shalt  }
0x4f: {  	_ =	shalt  }
0x50: {  	_ =	shalt  }
0x51: {  	_ =	shalt  }
0x52: {  	_ =	shalt  }
0x53: {  	_ =	shalt  }
0x54: {  	_ =	shalt  }
0x55: {  	_ =	shalt  }
0x56: {  	_ =	shalt  }
0x57: {  	_ =	shalt  }
0x58: {  	_ =	shalt  }
0x59: {  	_ =	shalt  }
0x5a: {  	_ =	shalt  }
0x5b: {  	_ =	shalt  }
0x5c: {  	_ =	shalt  }
0x5d: {  	_ =	shalt  }
0x5e: {  	_ =	shalt  }
0x5f: {  	_ =	shalt  }
0x60: {  	_ =	shalt  }
0x61: {  	_ =	shalt  }
0x62: {  	_ =	shalt  }
0x63: {  	_ =	shalt  }
0x64: {  	_ =	shalt  }
0x65: {  	_ =	shalt  }
0x66: {  	_ =	shalt  }
0x67: {  	_ =	shalt  }
0x68: {  	_ =	shalt  }
0x69: {  	_ =	shalt  }
0x6a: {  	_ =	shalt  }
0x6b: {  	_ =	shalt  }
0x6c: {  	_ =	shalt  }
0x6d: {  	_ =	shalt  }
0x6e: {  	_ =	shalt  }
0x6f: {  	_ =	shalt  }
0x70: {  	_ =	shalt  }
0x71: {  	_ =	shalt  }
0x72: {  	_ =	shalt  }
0x73: {  	_ =	shalt  }
0x74: {  	_ =	shalt  }
0x75: {  	_ =	shalt  }
0x76: {  	_ =	shalt  }
0x77: {  	_ =	shalt  }
0x78: {  	_ =	shalt  }
0x79: {  	_ =	shalt  }
0x7a: {  	_ =	shalt  }
0x7b: {  	_ =	shalt  }
0x7c: {  	_ =	shalt  }
0x7d: {  	_ =	shalt  }
0x7e: {  	_ =	shalt  }
0x7f: {  	_ =	shalt  }
0x80: {  	_ =	shalt  }
0x81: {  	_ =	shalt  }
0x82: {  	_ =	shalt  }
0x83: {  	_ =	shalt  }
0x84: {  	_ =	shalt  }
0x85: {  	_ =	shalt  }
0x86: {  	_ =	shalt  }
0x87: {  	_ =	shalt  }
.Lfunc_end0:
.L_simem_size_0:
called_computation.1_lowered:
.L_overlay_start_0:
0x88: {  	s2 =	sld [smem:$0x3FD9]  }
0x89: {  	s3 =	sld [smem:$0x3FFE];
	_ =	sdelay $0x1  }
0x8a: {  	s1 =	srdreg.scid  }
0x8b: {  	s0 =	sand.u32 $0x1, s1  }
0x8c: {  	s17 =	sshll.u32 s0, $0xA;
	s2 =	sadd.s32 s3, s2  }
0x8d: {  	s2 =	sadd.s32 s2, s17  }
0x8e: {  	[smem:$0x3F8E] =	sst s2  }
0x8f: {  	_ = 	snop  }
0x90: {  	(tm) =	ssettm $0x1  }
0x91: {  	s18 =	sld [smem:$0x3FFB];
	_ =	sdelay $0x3  }
0x92: {  	_ =	strace s18  }
0x93: {  	s2 =	sld [smem:$0x3FFC];
	_ =	sdelay $0x3  }
0x94: {  	_ =	strace s2  }
0x95: {  	s2 =	sld [smem:$0x3FFD];
	_ =	sdelay $0x3  }
0x96: {  	_ =	strace s2  }
0x97: {  	_ =	strace $0x8FFFFFFF  }
0x98: {  	s19 =	sld [smem:$0x3FDB];
	_ =	sdelay $0x1  }
0x99: {  	s20 =	simm.s32 $_scs_section_size  }
0x9a: {  	s4 =	simm.s32 $_size__tile_overlayer_lowered;
	s5 =	simm.s32 $_tile_overlayer_lowered  }
0x9b: {  	s6 =	simm.s32 $0x1BFF;
	s21 =	sshll.u32 s5, $0x1;
	s3 =	sadd.s32 s20, s19  }
0x9c: {  	s22 =	simm.s32 $0x0;
	s4 =	sshll.u32 s4, $0x1;
	s5 =	sadd.s32 s21, s3  }
0x9d: {  	[timem:s22], [sflag:s6] =	dma.local [hbm:s5], s4  }
0x9e: {  	_ =	swait.ge [sflag:s6], s4  }
0x9f: {  	s4 =	ssub.s32 $0x0, s4;
	[sflag:s6] =	ssyncset.done $0x0  }
0xa0: {  	[sflag:s6] =	ssyncadd.s32 s4;
	_ =	sdelay $0x1  }
0xa1: {  	s23 =	simm.s32 $0x1B8B  }
0xa2: {  	_ =	swait.ge [sflag:s23], $0x1  }
0xa3: {  	[sflag:s23] =	ssyncset.done $0x0  }
0xa4: {  	[sflag:s23] =	ssyncadd.s32 $0xFFFFFFFF  }
0xa5: {  	s4 =	sld [smem:$0x0]  }
0xa6: {  	s5 =	sand.u32 $0xFFFFFFFE, s1  }
0xa7: {  	p0 =	sne.s32 s1, s5  }
0xa8: {  	s5 =	sshll.u32 @p0 s5, $0xE  }
0xa9: {  	s5 =	sadd.s32 @p0 $0x11B8D, s5;
	s6 =	sshll.u32 @p0 s4, $0x11  }
0xaa: {  	s5 =	sor.u32 @p0 s6, s5  }
0xab: {  	[sflag:s5] =	ssyncadd.remote.s32 @p0 $0x1;
	_ =	sdelay $0x1  }
0xac: {  	s5 =	simm.s32 @p0 $0x1B8D  }
0xad: {  	_ =	swait.eq @p0 [sflag:s5], $0x1  }
0xae: {  	[sflag:s5] =	ssyncadd.s32 @p0 $0xFFFFFFFF  }
0xaf: {  	s6 =	sshll.u32 @!p0 s1, $0xE  }
0xb0: {  	s6 =	sor.u32 @!p0 $0x4000, s6;
	s5 =	simm.s32 @!p0 $0x1B8D  }
0xb1: {  	s4 =	sshll.u32 @!p0 s4, $0x11;
	s6 =	sadd.s32 @!p0 $0x11B8D, s6;
	_ =	swait.eq @!p0 [sflag:s5], $0x1  }
0xb2: {  	s4 =	sor.u32 @!p0 s4, s6;
	[sflag:s5] =	ssyncadd.s32 @!p0 $0xFFFFFFFF  }
0xb3: {  	s25 =	simm.s32 $0x1B8E;
	s24 =	sld [smem:$0x3FFE];
	[sflag:s4] =	ssyncadd.remote.s32 @!p0 $0x1  }
0xb4: {  	s26 =	simm.s32 $execute0_lowered;
	[smem:$0x3FD2] =	sst s25  }
0xb5: {  	s5 =	sshll.u32 s26, $0x1;
	_ =	strace $0x80000049;
	[dreg:$0x1] =	wrdreg $0xFFFFFFFF  }
0xb6: {  	s28 =	simm.s32 $_size_execute0_lowered;
	s3 =	sadd.s32 s3, s5;
	[dreg:$0x0] =	wrdreg $0x0  }
0xb7: {  	s5 =	sshll.u32 s28, $0x1;
	[dreg:$0x2] =	wrdreg s3  }
0xb8: {  	[dreg:$0x3] =	wrdreg s5  }
0xb9: {  	[dreg:$0x4] =	wrdreg $0xC0  }
0xba: {  	_ =	task [dreg:s22], $0x5FFFF  }
0xbb: {  	[dreg:$0x1] =	wrdreg $0xFFFFFFFF  }
0xbc: {  	[dreg:$0x0] =	wrdreg $0x60  }
0xbd: {  	[dreg:$0x2] =	wrdreg s24  }
0xbe: {  	[dreg:$0x3] =	wrdreg $0xA  }
0xbf: {  	_ =	task.clear_ibuf [dreg:s22], $0x4FFFF;
	_ =	strace $0x90000049  }
0xc0: {  	s29 =	simm.s32 $0xA;
	_ =	strace $0x8000004B  }
0xc1: {  	_ =	swait.ge [sflag:s29], $0x1  }
0xc2: {  	[sflag:s29] =	ssyncadd.s32 $0xFFFFFFFF  }
0xc3: {  	_ =	strace $0x9000004B  }
0xc4: {  	_ =	sfence  }
0xc5: {  	s30 =	sld [smem:$0x0];
	_ =	sdelay $0x2  }
0xc6: {  	s31 =	sshll.u32 s1, $0xD;
	s1 =	sshrl.u32 s1, $0x2  }
0xc7: {  	s4 =	sand.u32 $0x4000, s31;
	s1 =	sadd.s32 s1, s30  }
0xc8: {  	s0 =	sor.u32 s4, s0;
	s1 =	sshll.u32 s1, $0x11  }
0xc9: {  	s0 =	sor.u32 s1, s0  }
0xca: {  	s0 =	sadd.s32 $0x8F2B, s0  }
0xcb: {  	[sflag:s0] =	ssyncadd.remote.s32 $0x1  }
0xcc: {  	_ =	sfence.sel $0xFFFF  }
0xcd: {  	[dreg:$0x0] =	wrdreg $0xFFFFFFFF;
	(pc) =	sbr.abs _section_cstart, $3  }
0xce: {  	[dreg:$0x1] =	wrdreg $0xFFFFFFFF  }
0xcf: {  	_ =	task.clear_ibuf [dreg:s22], $0x2FFFF;
	_ =	strace $0x9FFFFFFF  }
0xd0: {  	(tm) =	ssettm $0x7FFFFFFF  }
0xd1: {  	_ =	shalt  }
tec
execute0_lowered:
.L_overlay_start_1:
0x0: {  	(tag) =	ssettag $0x1  }
0x1: {  	s1 =	srdreg.scid;
	s0 =	stileid.u32  }
0x2: {  	s29 =	sand.u32 $0x1, s1;
	s26 =	sshll.u32 s0, $0x1  }
0x3: {  	s19 =	sor.u32 s29, s26  }
0x4: {  	s3 =	smul.u32 $0x68, s19  }
0x5: {  	s20 =	rddreg [dreg:$0x0];
	s2 =	simm.s32 $0x0  }
0x6: {  	[smem:$0x7FF] =	sst s2;
	s5 =	sadd.s32 s3, s20  }
0x7: {  	_ =	strace $0x8000004A;
	s3 =	simm.s32 $0x6;
	s4 =	sadd.s32 $0x77000, s5  }
0x8: {  	[tilespmem:s2], [sflag:$0x6] =	stream.linear.gather [hbm4b:s4+s2], $0x340, $0x38;
	[tilespmem:$0x1B380] =	vst v63  }
0x9: {  	_ =	swait.ge [sflag:s3], $0x340  }
0xa: {  	s6 =	simm.s32 $0x340;
	[sflag:s3] =	ssyncset.done $0x0  }
0xb: {  	s7 =	smul.u32 $0xD0, s19;
	s5 =	sadd.s32 $0x76200, s5;
	[sflag:s3] =	ssyncadd.s32 $0xFFFFFCC0  }
0xc: {  	[tilespmem:s6], [sflag:$0x6] =	stream.linear.gather [hbm4b:s5+s2], $0x340, $0x38;
	[tilespmem:$0x1B380] =	vst v63  }
0xd: {  	_ =	swait.ge [sflag:s3], $0x340  }
0xe: {  	s30 =	sadd.s32 s7, s20;
	[sflag:s3] =	ssyncset.done $0x0  }
0xf: {  	s8 =	simm.s32 $0x1A680;
	s7 =	sadd.s32 $0x77E00, s30;
	[sflag:s3] =	ssyncadd.s32 $0xFFFFFCC0  }
0x10: {  	[tilespmem:s8], [sflag:$0x6] =	stream.linear.gather [hbm4b:s7+s2], $0x680, $0x38;
	[tilespmem:$0x1B380] =	vst v63  }
0x11: {  	_ =	swait.ge [sflag:s3], $0x680  }
0x12: {  	s10 =	simm.s32 $0x680;
	[sflag:s3] =	ssyncset.done $0x0  }
0x13: {  	s11 =	simm.s32 $0x1AD00;
	s9 =	sadd.s32 $0x9600, s20;
	[sflag:s3] =	ssyncadd.s32 $0xFFFFF980  }
0x14: {  	[tilespmem:s11], [sflag:$0x5] =	stream.indirect.gather [hbm4b:s9+s10], $0x1, s8, s10, $0xb8;
	[tilespmem:$0x1B380] =	vst v63  }
0x15: {  	s13 =	simm.s32 $0x1A0;
	s12 =	sadd.s32 $0x190000, s20  }
0x16: {  	[tilespmem:s10], [sflag:$0x1] =	stream.indirect.gather [hbm4b:s12+s13], $0x40, s2, s13, $0xb8;
	[tilespmem:$0x1B380] =	vst v63  }
0x17: {  	s14 =	simm.s32 $0x6E80  }
0x18: {  	[tilespmem:s14], [sflag:$0x2] =	stream.indirect.gather [hbm4b:s12+s13], $0x40, s6, s13, $0xb8;
	[tilespmem:$0x1B380] =	vst v63  }
0x19: {  	s15 =	simm.s32 $0xD680  }
0x1a: {  	[tilespmem:s15], [sflag:$0x3] =	stream.indirect.gather [hbm4b:s12+s13], $0x40, s13, s13, $0xb8;
	[tilespmem:$0x1B380] =	vst v63  }
0x1b: {  	s16 =	simm.s32 $0x4E0;
	s17 =	simm.s32 $0x13E80;
	s18 =	simm.s32 $0x1  }
0x1c: {  	[tilespmem:s17], [sflag:$0x4] =	stream.indirect.gather [hbm4b:s12+s13], $0x40, s16, s13, $0xb8;
	[tilespmem:$0x1B380] =	vst v63  }
0x1d: {  	s19 =	smul.u32 $0x1A000, s19;
	_ =	swait.ge [sflag:s18], $0x6800  }
0x1e: {  	[sflag:s18] =	ssyncset.done $0x0  }
0x1f: {  	s21 =	sshrl.u32 s19, $0x3;
	s19 =	simm.s32 $0x2;
	[sflag:s18] =	ssyncadd.s32 $0xFFFF9800  }
0x20: {  	_ =	swait.ge [sflag:s19], $0x6800  }
0x21: {  	s22 =	simm.s32 $0x80;
	s28 =	sadd.s32 s21, s20;
	[sflag:s19] =	ssyncset.done $0x0  }
0x22: {  	s21 =	simm.s32 $0x40;
	s20 =	sadd.s32 $0x7B200, s28;
	[sflag:s19] =	ssyncadd.s32 $0xFFFF9800  }
0x23: {  	[hbm4b:s20+s21] =	stream.strided.scatter [tilespmem:s10], [sflag:$0x6], $0x6800, s22, s21, $0x38;
	[tilespmem:$0x1B380] =	vst v63  }
0x24: {  	_ =	swait.ge [sflag:s3], $0x6800  }
0x25: {  	[sflag:s3] =	ssyncset.done $0x0  }
0x26: {  	s23 =	sadd.s32 $0x7B208, s28;
	[sflag:s3] =	ssyncadd.s32 $0xFFFF9800  }
0x27: {  	[hbm4b:s23+s21] =	stream.strided.scatter [tilespmem:s14], [sflag:$0x6], $0x6800, s22, s21, $0x38;
	[tilespmem:$0x1B380] =	vst v63  }
0x28: {  	_ =	swait.ge [sflag:s3], $0x6800  }
0x29: {  	[sflag:s3] =	ssyncset.done $0x0  }
0x2a: {  	s24 =	simm.s32 $0x3;
	[sflag:s3] =	ssyncadd.s32 $0xFFFF9800  }
0x2b: {  	_ =	swait.ge [sflag:s24], $0x6800  }
0x2c: {  	[sflag:s24] =	ssyncset.done $0x0  }
0x2d: {  	s25 =	simm.s32 $0x4;
	[sflag:s24] =	ssyncadd.s32 $0xFFFF9800  }
0x2e: {  	_ =	swait.ge [sflag:s25], $0x6800  }
0x2f: {  	[sflag:s25] =	ssyncset.done $0x0  }
0x30: {  	s26 =	sadd.s32 $0x7CC00, s28;
	[sflag:s25] =	ssyncadd.s32 $0xFFFF9800  }
0x31: {  	[hbm4b:s26+s21] =	stream.strided.scatter [tilespmem:s15], [sflag:$0x6], $0x6800, s22, s21, $0x38;
	[tilespmem:$0x1B380] =	vst v63  }
0x32: {  	_ =	swait.ge [sflag:s3], $0x6800  }
0x33: {  	[sflag:s3] =	ssyncset.done $0x0  }
0x34: {  	s31 =	ssub.s32 $0x2, s29;
	s28 =	sadd.s32 $0x7CC08, s28;
	[sflag:s3] =	ssyncadd.s32 $0xFFFF9800  }
0x35: {  	[hbm4b:s28+s21] =	stream.strided.scatter [tilespmem:s17], [sflag:$0x6], $0x6800, s22, s21, $0x38;
	[tilespmem:$0x1B380] =	vst v63  }
0x36: {  	s1 =	sshrl.u32 s31, $0x1;
	_ =	swait.ge [sflag:s3], $0x6800  }
0x37: {  	s1 =	ssub.s32 s31, s1;
	[sflag:s3] =	ssyncset.done $0x0  }
0x38: {  	s29 =	simm.s32 $0x5;
	s1 =	smax.u32 s1, $0x1;
	[sflag:s3] =	ssyncadd.s32 $0xFFFF9800  }
0x39: {  	p0 =	sne.s32 s1, $0x1;
	_ =	swait.ge [sflag:s29], $0x680  }
.Ltmp0:
0x3a: {  	[sflag:s29] =	ssyncset.done $0x0;
	(pc) =	sbr.rel @!p0 .LBB2_2-.Ltmp0, $4  }
0x3b: {  	s30 =	sadd.s32 $0x79800, s30;
	[sflag:s29] =	ssyncadd.s32 $0xFFFFF980  }
0x3c: {  	[hbm4b:s30+s2] =	stream.linear.scatter [tilespmem:s11], [sflag:$0x6], $0x680, $0x38;
	[tilespmem:$0x1B380] =	vst v63  }
0x3d: {  	_ =	swait.ge [sflag:s3], $0x680  }
0x3e: {  	s31 =	sadd.s32 $0xFFFFFFFF, s1;
	[sflag:s3] =	ssyncset.done $0x0  }
.LBB2_1:
0x3f: {  	p0 =	sne.s32 s31, $0x1;
	s31 =	sadd.s32 $0xFFFFFFFF, s31;
	[sflag:s3] =	ssyncadd.s32 $0xFFFFF980  }
0x40: {  	[tilespmem:s2], [sflag:$0x6] =	stream.linear.gather [hbm4b:s4+s2], $0x340, $0x38;
	[tilespmem:$0x1B380] =	vst v63  }
0x41: {  	_ =	swait.ge [sflag:s3], $0x340  }
0x42: {  	[sflag:s3] =	ssyncset.done $0x0  }
0x43: {  	[sflag:s3] =	ssyncadd.s32 $0xFFFFFCC0  }
0x44: {  	[tilespmem:s6], [sflag:$0x6] =	stream.linear.gather [hbm4b:s5+s2], $0x340, $0x38;
	[tilespmem:$0x1B380] =	vst v63  }
0x45: {  	_ =	swait.ge [sflag:s3], $0x340  }
0x46: {  	[sflag:s3] =	ssyncset.done $0x0  }
0x47: {  	[sflag:s3] =	ssyncadd.s32 $0xFFFFFCC0  }
0x48: {  	[tilespmem:s8], [sflag:$0x6] =	stream.linear.gather [hbm4b:s7+s2], $0x680, $0x38;
	[tilespmem:$0x1B380] =	vst v63  }
0x49: {  	_ =	swait.ge [sflag:s3], $0x680  }
0x4a: {  	[sflag:s3] =	ssyncset.done $0x0  }
0x4b: {  	[sflag:s3] =	ssyncadd.s32 $0xFFFFF980  }
0x4c: {  	[tilespmem:s11], [sflag:$0x5] =	stream.indirect.gather [hbm4b:s9+s10], $0x1, s8, s10, $0xb8;
	[tilespmem:$0x1B380] =	vst v63  }
0x4d: {  	_ = 	snop  }
0x4e: {  	[tilespmem:s10], [sflag:$0x1] =	stream.indirect.gather [hbm4b:s12+s13], $0x40, s2, s13, $0xb8;
	[tilespmem:$0x1B380] =	vst v63  }
0x4f: {  	_ = 	snop  }
0x50: {  	[tilespmem:s14], [sflag:$0x2] =	stream.indirect.gather [hbm4b:s12+s13], $0x40, s6, s13, $0xb8;
	[tilespmem:$0x1B380] =	vst v63  }
0x51: {  	_ = 	snop  }
0x52: {  	[tilespmem:s15], [sflag:$0x3] =	stream.indirect.gather [hbm4b:s12+s13], $0x40, s13, s13, $0xb8;
	[tilespmem:$0x1B380] =	vst v63  }
0x53: {  	_ = 	snop  }
0x54: {  	[tilespmem:s17], [sflag:$0x4] =	stream.indirect.gather [hbm4b:s12+s13], $0x40, s16, s13, $0xb8;
	[tilespmem:$0x1B380] =	vst v63  }
0x55: {  	_ =	swait.ge [sflag:s18], $0x6800  }
0x56: {  	[sflag:s18] =	ssyncset.done $0x0  }
0x57: {  	[sflag:s18] =	ssyncadd.s32 $0xFFFF9800  }
0x58: {  	_ =	swait.ge [sflag:s19], $0x6800  }
0x59: {  	[sflag:s19] =	ssyncset.done $0x0  }
0x5a: {  	[sflag:s19] =	ssyncadd.s32 $0xFFFF9800  }
0x5b: {  	[hbm4b:s20+s21] =	stream.strided.scatter [tilespmem:s10], [sflag:$0x6], $0x6800, s22, s21, $0x38;
	[tilespmem:$0x1B380] =	vst v63  }
0x5c: {  	_ =	swait.ge [sflag:s3], $0x6800  }
0x5d: {  	[sflag:s3] =	ssyncset.done $0x0  }
0x5e: {  	[sflag:s3] =	ssyncadd.s32 $0xFFFF9800  }
0x5f: {  	[hbm4b:s23+s21] =	stream.strided.scatter [tilespmem:s14], [sflag:$0x6], $0x6800, s22, s21, $0x38;
	[tilespmem:$0x1B380] =	vst v63  }
0x60: {  	_ =	swait.ge [sflag:s3], $0x6800  }
0x61: {  	[sflag:s3] =	ssyncset.done $0x0  }
0x62: {  	[sflag:s3] =	ssyncadd.s32 $0xFFFF9800  }
0x63: {  	_ =	swait.ge [sflag:s24], $0x6800  }
0x64: {  	[sflag:s24] =	ssyncset.done $0x0  }
0x65: {  	[sflag:s24] =	ssyncadd.s32 $0xFFFF9800  }
0x66: {  	_ =	swait.ge [sflag:s25], $0x6800  }
0x67: {  	[sflag:s25] =	ssyncset.done $0x0  }
0x68: {  	[sflag:s25] =	ssyncadd.s32 $0xFFFF9800  }
0x69: {  	[hbm4b:s26+s21] =	stream.strided.scatter [tilespmem:s15], [sflag:$0x6], $0x6800, s22, s21, $0x38;
	[tilespmem:$0x1B380] =	vst v63  }
0x6a: {  	_ =	swait.ge [sflag:s3], $0x6800  }
0x6b: {  	[sflag:s3] =	ssyncset.done $0x0  }
0x6c: {  	[sflag:s3] =	ssyncadd.s32 $0xFFFF9800  }
0x6d: {  	[hbm4b:s28+s21] =	stream.strided.scatter [tilespmem:s17], [sflag:$0x6], $0x6800, s22, s21, $0x38;
	[tilespmem:$0x1B380] =	vst v63  }
0x6e: {  	_ =	swait.ge [sflag:s3], $0x6800  }
0x6f: {  	[sflag:s3] =	ssyncset.done $0x0  }
0x70: {  	[sflag:s3] =	ssyncadd.s32 $0xFFFF9800  }
0x71: {  	_ =	swait.ge [sflag:s29], $0x680  }
.Ltmp1:
0x72: {  	[sflag:s29] =	ssyncset.done $0x0;
	(pc) =	sbr.rel @p0 .LBB2_1-.Ltmp1, $4  }
0x73: {  	[sflag:s29] =	ssyncadd.s32 $0xFFFFF980  }
0x74: {  	[hbm4b:s30+s2] =	stream.linear.scatter [tilespmem:s11], [sflag:$0x6], $0x680, $0x38;
	[tilespmem:$0x1B380] =	vst v63  }
0x75: {  	_ =	swait.ge [sflag:s3], $0x680  }
0x76: {  	[sflag:s3] =	ssyncset.done $0x0  }
.LBB2_2:
0x77: {  	[sflag:s3] =	ssyncadd.s32 $0xFFFFF980  }
0x78: {  	_ =	sfence.sel $0x180000  }
0x79: {  	[bflag:$0x0] =	sbarrier.arrive $0xFFFF  }
0x7a: {  	_ =	strace $0x9000004A  }
0x7b: {  	[bflag:$0x2] =	sbarrier.arrive $0xFFFF  }
0x7c: {  	p0 =	sne.s32 s0, $0x0;
	s0 =	rddreg [dreg:$0x1]  }
0x7d: {  	s0 =	sadd.s32 @!p0 $0x100000, s0  }
0x7e: {  	[sflag:s0] =	ssyncadd.tile.s32 @!p0 $0x1;
	_ =	shalt  }
.Lfunc_end2:
_tile_overlayer_lowered:
.L_overlay_start_2:
0x7f: {  	(tag) =	ssettag $0x2  }
0x80: {  	s0 =	rddreg [dreg:$0x0];
	s2 =	stileid.u32  }
0x81: {  	s1 =	rddreg [dreg:$0x1];
	p0 =	sne.s32 s2, $0x0  }
0x82: {  	s3 =	rddreg [dreg:$0x2];
	[bflag:$0x3] =	sbarrier.arrive $0xFFFF;
	s2 =	simm.s32 @!p0 $0x1C06  }
0x83: {  	[timem:s3], [sflag:s2] =	dma.local @!p0 [hbm:s0], s1  }
0x84: {  	s0 =	simm.s32 @!p0 $0x6  }
0x85: {  	_ =	swait.ge @!p0 [sflag:s0], s1  }
0x86: {  	s1 =	ssub.s32 @!p0 $0x0, s1;
	[sflag:s0] =	ssyncset.done @!p0 $0x0  }
0x87: {  	[sflag:s0] =	ssyncadd.s32 @!p0 s1  }
0x88: {  	[bflag:$0x3] =	sbarrier.arrive $0xFFFF  }
0x89: {  	_ =	shalt  }

</sc_bundles>
